<compile_context>
chip_gen: v7x
topology: tpu7x:2x2x1
jax: 0.10.2.dev20260603
libtpu: 0.0.44.dev20260713+nightly
codegen_flags: <defaults>
</compile_context>

<pallas_src>
import functools

import jax
import jax.numpy as jnp
from jax import lax
from jax.experimental import pallas as pl
from jax.experimental.pallas import tpu as pltpu
from jax.experimental.pallas import tpu_sc as plsc

B = 16384
D = 16
NCOL = 6
_NC = 2
_NS = 16
_NW = _NC * _NS
_BPW = B // _NW
_BF = (False, False, False, False, False, False)


def _sc_gather(tables, indices):
  mesh = plsc.VectorSubcoreMesh(core_axis_name="c", subcore_axis_name="s")

  @functools.partial(
      pl.kernel,
      mesh=mesh,
      compiler_params=pltpu.CompilerParams(use_tc_tiling_on_sc=False),
      out_type=tuple(
          jax.ShapeDtypeStruct((B, D), jnp.bfloat16 if _BF[j] else jnp.float32)
          for j in range(NCOL)),
      scratch_types=(
          [pltpu.VMEM((_BPW,), jnp.int32) for _ in range(NCOL)]
          + [pltpu.VMEM((_BPW, D), jnp.bfloat16 if _BF[j] else jnp.float32)
             for j in range(NCOL)]
          + [pltpu.SemaphoreType.DMA for _ in range(NCOL)]
      ),
  )
  def k(*refs):
    tabs = refs[0:NCOL]
    idxs = refs[NCOL:2 * NCOL]
    outs = refs[2 * NCOL:3 * NCOL]
    idx_v = refs[3 * NCOL:4 * NCOL]
    rows_v = refs[4 * NCOL:5 * NCOL]
    sems = refs[5 * NCOL:6 * NCOL]
    wid = lax.axis_index("s") * _NC + lax.axis_index("c")
    base = wid * _BPW
    for j in range(NCOL):
      pltpu.sync_copy(idxs[j].at[pl.ds(base, _BPW)], idx_v[j])
    cps = [
        pltpu.async_copy(tabs[j].at[idx_v[j]], rows_v[j], sems[j])
        for j in range(NCOL)
    ]
    for j in range(NCOL):
      cps[j].wait()
      pltpu.sync_copy(rows_v[j], outs[j].at[pl.ds(base, _BPW)])

  return k(*tables, *indices)


_V = 1000000
_TCOL = 16384
_TGRID = (_V + _TCOL - 1) // _TCOL
_KB = _TCOL // 8
_VPAD = _TGRID * _TCOL


def _tr_body(a, b, oa, ob):
  col = lax.broadcasted_iota(jnp.int32, (128, 128), 1)
  row = lax.broadcasted_iota(jnp.int32, (128, 128), 0)
  eye = (col == row).astype(jnp.float32)
  for x, o in ((a, oa), (b, ob)):
    xv = x[...]
    xc = jnp.concatenate(
        [xv[:, s * _KB:(s + 1) * _KB] for s in range(8)], axis=0)
    o[...] = lax.dot_general(xc, eye, (((0,), (0,)), ((), ())),
                             preferred_element_type=jnp.float32)


def _tc_transpose(t0, t1):
  ispec = pl.BlockSpec((16, _TCOL), lambda g: (0, g))
  ospec = pl.BlockSpec((_KB, 128), lambda g: (g, 0))
  return pl.pallas_call(
      _tr_body,
      grid=(_TGRID,),
      in_specs=[ispec, ispec],
      out_specs=[ospec, ospec],
      out_shape=[jax.ShapeDtypeStruct((_VPAD // 8, 128), jnp.float32)] * 2,
      compiler_params=pltpu.CompilerParams(fuse_transposed_lhs_in_matmul=True),
  )(t0, t1)


def _pack_idx(i):
  r_local = i % _TCOL
  return (i - r_local) + (r_local % _KB) * 8 + r_local // _KB


_R = 2048


def _mlp_body(e0, e1, e2, e3, e4, e5, w0, b0, w1, b1, w2, b2, out):
  es = (e0, e1, e2, e3, e4, e5)
  w0v = w0[...]
  s = None
  for j in range(NCOL):
    x = es[j][...].astype(jnp.float32)
    p = jnp.dot(x, w0v[D * j:D * (j + 1), :],
                preferred_element_type=jnp.float32)
    s = p if s is None else s + p
  h0 = jnp.maximum(s + b0[...], 0.0)
  h1 = jnp.maximum(
      jnp.dot(h0, w1[...], preferred_element_type=jnp.float32) + b1[...], 0.0)
  out[...] = jnp.dot(h1, w2[...], preferred_element_type=jnp.float32) + b2[...]


def _tc_mlp(embs, W0, b0, W1, b1, W2, b2):
  especs = [pl.BlockSpec((_R, D), lambda g: (g, 0)) for _ in range(NCOL)]

  def wspec(shape):
    return pl.BlockSpec(shape, lambda g: (0, 0))

  return pl.pallas_call(
      _mlp_body,
      grid=(B // _R,),
      in_specs=(
          especs
          + [wspec((D * NCOL, 256)), wspec((1, 256)),
             wspec((256, 128)), wspec((1, 128)),
             wspec((128, 1)), wspec((1, 1))]
      ),
      out_specs=pl.BlockSpec((_R, 1), lambda g: (g, 0)),
      out_shape=jax.ShapeDtypeStruct((B, 1), jnp.float32),
  )(*embs, W0, b0.reshape(1, -1), W1, b1.reshape(1, -1), W2,
    b2.reshape(1, -1))


def kernel(idx_user_id, table_user_id, idx_item_id, table_item_id,
           idx_device, table_device, idx_geo, table_geo,
           idx_hour, table_hour, idx_dayofweek, table_dayofweek,
           W0, b0, W1, b1, W2, b2):
  p0, p1 = _tc_transpose(table_user_id.T, table_item_id.T)
  tables = [p0.reshape(_VPAD, D), p1.reshape(_VPAD, D), table_device,
            table_geo, table_hour, table_dayofweek]
  i0 = _pack_idx(idx_user_id.astype(jnp.int32))
  i1 = _pack_idx(idx_item_id.astype(jnp.int32))
  indices = (i0, i1) + tuple(
      i.astype(jnp.int32)
      for i in (idx_device, idx_geo, idx_hour, idx_dayofweek))
  embs = _sc_gather(tables, indices)
  return _tc_mlp(embs, W0, b0, W1, b1, W2, b2)

# --- scband reference (transcript-rebuilt; emitter-appended) ---
"""Pipeline reference for scband-bias-tower-52432960749812 (READ-ONLY COPY).

The authoritative reference and input builder live on the scoring server;
editing this copy changes nothing except your own understanding.
"""

import jax, jax.numpy as jnp
import numpy as np

COLUMNS = [("user_id", 1000000), ("item_id", 1000000), ("device", 1000), ("geo", 10000), ("hour", 24), ("dayofweek", 7)]
B = 16384
D = 16
LAYERS = [256, 128, 1]

def setup_inputs(seed: int = 0) -> dict:
    key = jax.random.key(seed)
    inp = {}
    i = 0
    for name, vocab in COLUMNS:
        inp["idx_" + name] = jax.random.randint(jax.random.fold_in(key, i), (B,), 0, vocab)
        i += 1
        inp["table_" + name] = jax.random.normal(jax.random.fold_in(key, i), (vocab, D), dtype=jnp.float32) * 0.02
        i += 1
    in_dim = D * len(COLUMNS)
    for li, out_dim in enumerate(LAYERS):
        inp[f"W{li}"] = jax.random.normal(jax.random.fold_in(key, 100 + li), (in_dim, out_dim), dtype=jnp.float32) * (1.0 / np.sqrt(in_dim))
        inp[f"b{li}"] = jnp.zeros((out_dim,), dtype=jnp.float32)
        in_dim = out_dim
    return inp

def reference(idx_user_id, table_user_id, idx_item_id, table_item_id,
              idx_device, table_device, idx_geo, table_geo,
              idx_hour, table_hour, idx_dayofweek, table_dayofweek,
              W0, b0, W1, b1, W2, b2):
    # BiasTower forward (training=False, dropout inactive):
    # per-column embedding lookup -> concat -> MLP tower (Dense+relu, final Dense linear)
    inp = {
        "idx_user_id": idx_user_id, "table_user_id": table_user_id,
        "idx_item_id": idx_item_id, "table_item_id": table_item_id,
        "idx_device": idx_device, "table_device": table_device,
        "idx_geo": idx_geo, "table_geo": table_geo,
        "idx_hour": idx_hour, "table_hour": table_hour,
        "idx_dayofweek": idx_dayofweek, "table_dayofweek": table_dayofweek,
        "W0": W0, "b0": b0, "W1": W1, "b1": b1, "W2": W2, "b2": b2,
    }
    embs = [jnp.take(inp["table_" + name], inp["idx_" + name], axis=0) for name, _ in COLUMNS]
    x = jnp.concatenate(embs, axis=-1)
    n = len(LAYERS)
    for li in range(n):
        x = x @ inp[f"W{li}"] + inp[f"b{li}"]
        if li < n - 1:
            x = jax.nn.relu(x)
    return x

if __name__ == "__main__":
    import jax
    _d = setup_inputs()
    print(jax.jit(kernel)(*tuple(_d.values())))

</pallas_src>

<mosaic_0001>
#map = affine_map<(d0, d1) -> (0, 0)>
#map1 = affine_map<(d0, d1) -> (0)>
module attributes {stable_mosaic.version = 14 : i64} {
  func.func @k(%arg0: i32, %arg1: i32, %arg2: memref<1015808x16xf32, #tpu.memory_space<hbm>>, %arg3: memref<1015808x16xf32, #tpu.memory_space<hbm>>, %arg4: memref<1000x16xf32, #tpu.memory_space<hbm>>, %arg5: memref<10000x16xf32, #tpu.memory_space<hbm>>, %arg6: memref<24x16xf32, #tpu.memory_space<hbm>>, %arg7: memref<7x16xf32, #tpu.memory_space<hbm>>, %arg8: memref<16384xi32, #tpu.memory_space<hbm>>, %arg9: memref<16384xi32, #tpu.memory_space<hbm>>, %arg10: memref<16384xi32, #tpu.memory_space<hbm>>, %arg11: memref<16384xi32, #tpu.memory_space<hbm>>, %arg12: memref<16384xi32, #tpu.memory_space<hbm>>, %arg13: memref<16384xi32, #tpu.memory_space<hbm>>, %arg14: memref<16384x16xf32, #tpu.memory_space<hbm>>, %arg15: memref<16384x16xf32, #tpu.memory_space<hbm>>, %arg16: memref<16384x16xf32, #tpu.memory_space<hbm>>, %arg17: memref<16384x16xf32, #tpu.memory_space<hbm>>, %arg18: memref<16384x16xf32, #tpu.memory_space<hbm>>, %arg19: memref<16384x16xf32, #tpu.memory_space<hbm>>, %arg20: memref<512xi32, #tpu.memory_space<vmem>>, %arg21: memref<512xi32, #tpu.memory_space<vmem>>, %arg22: memref<512xi32, #tpu.memory_space<vmem>>, %arg23: memref<512xi32, #tpu.memory_space<vmem>>, %arg24: memref<512xi32, #tpu.memory_space<vmem>>, %arg25: memref<512xi32, #tpu.memory_space<vmem>>, %arg26: memref<512x16xf32, #tpu.memory_space<vmem>>, %arg27: memref<512x16xf32, #tpu.memory_space<vmem>>, %arg28: memref<512x16xf32, #tpu.memory_space<vmem>>, %arg29: memref<512x16xf32, #tpu.memory_space<vmem>>, %arg30: memref<512x16xf32, #tpu.memory_space<vmem>>, %arg31: memref<512x16xf32, #tpu.memory_space<vmem>>, %arg32: memref<!tpu.dma_semaphore, #tpu.memory_space<semaphore_mem>>, %arg33: memref<!tpu.dma_semaphore, #tpu.memory_space<semaphore_mem>>, %arg34: memref<!tpu.dma_semaphore, #tpu.memory_space<semaphore_mem>>, %arg35: memref<!tpu.dma_semaphore, #tpu.memory_space<semaphore_mem>>, %arg36: memref<!tpu.dma_semaphore, #tpu.memory_space<semaphore_mem>>, %arg37: memref<!tpu.dma_semaphore, #tpu.memory_space<semaphore_mem>>) attributes {dimension_semantics = [#tpu.dimension_semantics<core_parallel>, #tpu.dimension_semantics<subcore_parallel>], iteration_bounds = array<i64: 2, 16>, scalar_prefetch = 0 : i64, scratch_operands = 18 : i64, tpu.core_type = #tpu.core_type<sc_vector_subcore>, window_params = [{transform_indices = #map}, {transform_indices = #map}, {transform_indices = #map}, {transform_indices = #map}, {transform_indices = #map}, {transform_indices = #map}, {transform_indices = #map1}, {transform_indices = #map1}, {transform_indices = #map1}, {transform_indices = #map1}, {transform_indices = #map1}, {transform_indices = #map1}, {transform_indices = #map}, {transform_indices = #map}, {transform_indices = #map}, {transform_indices = #map}, {transform_indices = #map}, {transform_indices = #map}]} {
    %mul3A = arith.constant 2 : i32
    %mul3A_0 = arith.muli %arg1, %mul3A : i32
    %add3A = arith.addi %mul3A_0, %arg0 : i32
    %mul3A_1 = arith.constant 512 : i32
    %mul3A_2 = arith.muli %add3A, %mul3A_1 : i32
    "tpu.region"() ({
      %run_scoped3A = tpu.sem_alloc : memref<!tpu.dma_semaphore, #tpu.memory_space<semaphore_mem>>
      %dma_start3A_37 = tpu.memref_slice %arg8[%mul3A_2] : memref<16384xi32, #tpu.memory_space<hbm>> -> memref<512xi32, #tpu.memory_space<hbm>>
      %dma_start3A_38 = tpu.memref_slice %arg8[%mul3A_2] : memref<16384xi32, #tpu.memory_space<hbm>> -> memref<512xi32, #tpu.memory_space<hbm>>
      tpu.enqueue_dma source(%dma_start3A_38 : memref<512xi32, #tpu.memory_space<hbm>>) target(%arg20 : memref<512xi32, #tpu.memory_space<vmem>>) target_semaphore(%run_scoped3A : memref<!tpu.dma_semaphore, #tpu.memory_space<semaphore_mem>>)
      %dma_wait3A_39 = tpu.memref_slice %arg8[%mul3A_2] : memref<16384xi32, #tpu.memory_space<hbm>> -> memref<512xi32, #tpu.memory_space<hbm>>
      %dma_wait3A_40 = tpu.memref_slice %arg8[%mul3A_2] : memref<16384xi32, #tpu.memory_space<hbm>> -> memref<512xi32, #tpu.memory_space<hbm>>
      tpu.wait_dma2 semaphore(%run_scoped3A : memref<!tpu.dma_semaphore, #tpu.memory_space<semaphore_mem>>) src(%dma_wait3A_40 : memref<512xi32, #tpu.memory_space<hbm>>) dst(%arg20 : memref<512xi32, #tpu.memory_space<vmem>>)
      tpu.yield
    }) : () -> ()
    "tpu.region"() ({
      %run_scoped3A = tpu.sem_alloc : memref<!tpu.dma_semaphore, #tpu.memory_space<semaphore_mem>>
      %dma_start3A_37 = tpu.memref_slice %arg9[%mul3A_2] : memref<16384xi32, #tpu.memory_space<hbm>> -> memref<512xi32, #tpu.memory_space<hbm>>
      %dma_start3A_38 = tpu.memref_slice %arg9[%mul3A_2] : memref<16384xi32, #tpu.memory_space<hbm>> -> memref<512xi32, #tpu.memory_space<hbm>>
      tpu.enqueue_dma source(%dma_start3A_38 : memref<512xi32, #tpu.memory_space<hbm>>) target(%arg21 : memref<512xi32, #tpu.memory_space<vmem>>) target_semaphore(%run_scoped3A : memref<!tpu.dma_semaphore, #tpu.memory_space<semaphore_mem>>)
      %dma_wait3A_39 = tpu.memref_slice %arg9[%mul3A_2] : memref<16384xi32, #tpu.memory_space<hbm>> -> memref<512xi32, #tpu.memory_space<hbm>>
      %dma_wait3A_40 = tpu.memref_slice %arg9[%mul3A_2] : memref<16384xi32, #tpu.memory_space<hbm>> -> memref<512xi32, #tpu.memory_space<hbm>>
      tpu.wait_dma2 semaphore(%run_scoped3A : memref<!tpu.dma_semaphore, #tpu.memory_space<semaphore_mem>>) src(%dma_wait3A_40 : memref<512xi32, #tpu.memory_space<hbm>>) dst(%arg21 : memref<512xi32, #tpu.memory_space<vmem>>)
      tpu.yield
    }) : () -> ()
    "tpu.region"() ({
      %run_scoped3A = tpu.sem_alloc : memref<!tpu.dma_semaphore, #tpu.memory_space<semaphore_mem>>
      %dma_start3A_37 = tpu.memref_slice %arg10[%mul3A_2] : memref<16384xi32, #tpu.memory_space<hbm>> -> memref<512xi32, #tpu.memory_space<hbm>>
      %dma_start3A_38 = tpu.memref_slice %arg10[%mul3A_2] : memref<16384xi32, #tpu.memory_space<hbm>> -> memref<512xi32, #tpu.memory_space<hbm>>
      tpu.enqueue_dma source(%dma_start3A_38 : memref<512xi32, #tpu.memory_space<hbm>>) target(%arg22 : memref<512xi32, #tpu.memory_space<vmem>>) target_semaphore(%run_scoped3A : memref<!tpu.dma_semaphore, #tpu.memory_space<semaphore_mem>>)
      %dma_wait3A_39 = tpu.memref_slice %arg10[%mul3A_2] : memref<16384xi32, #tpu.memory_space<hbm>> -> memref<512xi32, #tpu.memory_space<hbm>>
      %dma_wait3A_40 = tpu.memref_slice %arg10[%mul3A_2] : memref<16384xi32, #tpu.memory_space<hbm>> -> memref<512xi32, #tpu.memory_space<hbm>>
      tpu.wait_dma2 semaphore(%run_scoped3A : memref<!tpu.dma_semaphore, #tpu.memory_space<semaphore_mem>>) src(%dma_wait3A_40 : memref<512xi32, #tpu.memory_space<hbm>>) dst(%arg22 : memref<512xi32, #tpu.memory_space<vmem>>)
      tpu.yield
    }) : () -> ()
    "tpu.region"() ({
      %run_scoped3A = tpu.sem_alloc : memref<!tpu.dma_semaphore, #tpu.memory_space<semaphore_mem>>
      %dma_start3A_37 = tpu.memref_slice %arg11[%mul3A_2] : memref<16384xi32, #tpu.memory_space<hbm>> -> memref<512xi32, #tpu.memory_space<hbm>>
      %dma_start3A_38 = tpu.memref_slice %arg11[%mul3A_2] : memref<16384xi32, #tpu.memory_space<hbm>> -> memref<512xi32, #tpu.memory_space<hbm>>
      tpu.enqueue_dma source(%dma_start3A_38 : memref<512xi32, #tpu.memory_space<hbm>>) target(%arg23 : memref<512xi32, #tpu.memory_space<vmem>>) target_semaphore(%run_scoped3A : memref<!tpu.dma_semaphore, #tpu.memory_space<semaphore_mem>>)
      %dma_wait3A_39 = tpu.memref_slice %arg11[%mul3A_2] : memref<16384xi32, #tpu.memory_space<hbm>> -> memref<512xi32, #tpu.memory_space<hbm>>
      %dma_wait3A_40 = tpu.memref_slice %arg11[%mul3A_2] : memref<16384xi32, #tpu.memory_space<hbm>> -> memref<512xi32, #tpu.memory_space<hbm>>
      tpu.wait_dma2 semaphore(%run_scoped3A : memref<!tpu.dma_semaphore, #tpu.memory_space<semaphore_mem>>) src(%dma_wait3A_40 : memref<512xi32, #tpu.memory_space<hbm>>) dst(%arg23 : memref<512xi32, #tpu.memory_space<vmem>>)
      tpu.yield
    }) : () -> ()
    "tpu.region"() ({
      %run_scoped3A = tpu.sem_alloc : memref<!tpu.dma_semaphore, #tpu.memory_space<semaphore_mem>>
      %dma_start3A_37 = tpu.memref_slice %arg12[%mul3A_2] : memref<16384xi32, #tpu.memory_space<hbm>> -> memref<512xi32, #tpu.memory_space<hbm>>
      %dma_start3A_38 = tpu.memref_slice %arg12[%mul3A_2] : memref<16384xi32, #tpu.memory_space<hbm>> -> memref<512xi32, #tpu.memory_space<hbm>>
      tpu.enqueue_dma source(%dma_start3A_38 : memref<512xi32, #tpu.memory_space<hbm>>) target(%arg24 : memref<512xi32, #tpu.memory_space<vmem>>) target_semaphore(%run_scoped3A : memref<!tpu.dma_semaphore, #tpu.memory_space<semaphore_mem>>)
      %dma_wait3A_39 = tpu.memref_slice %arg12[%mul3A_2] : memref<16384xi32, #tpu.memory_space<hbm>> -> memref<512xi32, #tpu.memory_space<hbm>>
      %dma_wait3A_40 = tpu.memref_slice %arg12[%mul3A_2] : memref<16384xi32, #tpu.memory_space<hbm>> -> memref<512xi32, #tpu.memory_space<hbm>>
      tpu.wait_dma2 semaphore(%run_scoped3A : memref<!tpu.dma_semaphore, #tpu.memory_space<semaphore_mem>>) src(%dma_wait3A_40 : memref<512xi32, #tpu.memory_space<hbm>>) dst(%arg24 : memref<512xi32, #tpu.memory_space<vmem>>)
      tpu.yield
    }) : () -> ()
    "tpu.region"() ({
      %run_scoped3A = tpu.sem_alloc : memref<!tpu.dma_semaphore, #tpu.memory_space<semaphore_mem>>
      %dma_start3A_37 = tpu.memref_slice %arg13[%mul3A_2] : memref<16384xi32, #tpu.memory_space<hbm>> -> memref<512xi32, #tpu.memory_space<hbm>>
      %dma_start3A_38 = tpu.memref_slice %arg13[%mul3A_2] : memref<16384xi32, #tpu.memory_space<hbm>> -> memref<512xi32, #tpu.memory_space<hbm>>
      tpu.enqueue_dma source(%dma_start3A_38 : memref<512xi32, #tpu.memory_space<hbm>>) target(%arg25 : memref<512xi32, #tpu.memory_space<vmem>>) target_semaphore(%run_scoped3A : memref<!tpu.dma_semaphore, #tpu.memory_space<semaphore_mem>>)
      %dma_wait3A_39 = tpu.memref_slice %arg13[%mul3A_2] : memref<16384xi32, #tpu.memory_space<hbm>> -> memref<512xi32, #tpu.memory_space<hbm>>
      %dma_wait3A_40 = tpu.memref_slice %arg13[%mul3A_2] : memref<16384xi32, #tpu.memory_space<hbm>> -> memref<512xi32, #tpu.memory_space<hbm>>
      tpu.wait_dma2 semaphore(%run_scoped3A : memref<!tpu.dma_semaphore, #tpu.memory_space<semaphore_mem>>) src(%dma_wait3A_40 : memref<512xi32, #tpu.memory_space<hbm>>) dst(%arg25 : memref<512xi32, #tpu.memory_space<vmem>>)
      tpu.yield
    }) : () -> ()
    %dma_start3A = arith.constant 0 : i32
    %dma_start3A_3 = arith.constant 0 : i32
    %dma_start3A_4 = tpu.memref_slice %arg2[%dma_start3A, %dma_start3A_3] : memref<1015808x16xf32, #tpu.memory_space<hbm>> -> memref<1015808x16xf32, #tpu.memory_space<hbm>>
    tpu.enqueue_indirect_dma source(%dma_start3A_4 : memref<1015808x16xf32, #tpu.memory_space<hbm>>) target(%arg26 : memref<512x16xf32, #tpu.memory_space<vmem>>) offsets(%arg20 : memref<512xi32, #tpu.memory_space<vmem>>) semaphore(%arg32 : memref<!tpu.dma_semaphore, #tpu.memory_space<semaphore_mem>>)
    %dma_start3A_5 = arith.constant 0 : i32
    %dma_start3A_6 = arith.constant 0 : i32
    %dma_start3A_7 = tpu.memref_slice %arg3[%dma_start3A_5, %dma_start3A_6] : memref<1015808x16xf32, #tpu.memory_space<hbm>> -> memref<1015808x16xf32, #tpu.memory_space<hbm>>
    tpu.enqueue_indirect_dma source(%dma_start3A_7 : memref<1015808x16xf32, #tpu.memory_space<hbm>>) target(%arg27 : memref<512x16xf32, #tpu.memory_space<vmem>>) offsets(%arg21 : memref<512xi32, #tpu.memory_space<vmem>>) semaphore(%arg33 : memref<!tpu.dma_semaphore, #tpu.memory_space<semaphore_mem>>)
    %dma_start3A_8 = arith.constant 0 : i32
    %dma_start3A_9 = arith.constant 0 : i32
    %dma_start3A_10 = tpu.memref_slice %arg4[%dma_start3A_8, %dma_start3A_9] : memref<1000x16xf32, #tpu.memory_space<hbm>> -> memref<1000x16xf32, #tpu.memory_space<hbm>>
    tpu.enqueue_indirect_dma source(%dma_start3A_10 : memref<1000x16xf32, #tpu.memory_space<hbm>>) target(%arg28 : memref<512x16xf32, #tpu.memory_space<vmem>>) offsets(%arg22 : memref<512xi32, #tpu.memory_space<vmem>>) semaphore(%arg34 : memref<!tpu.dma_semaphore, #tpu.memory_space<semaphore_mem>>)
    %dma_start3A_11 = arith.constant 0 : i32
    %dma_start3A_12 = arith.constant 0 : i32
    %dma_start3A_13 = tpu.memref_slice %arg5[%dma_start3A_11, %dma_start3A_12] : memref<10000x16xf32, #tpu.memory_space<hbm>> -> memref<10000x16xf32, #tpu.memory_space<hbm>>
    tpu.enqueue_indirect_dma source(%dma_start3A_13 : memref<10000x16xf32, #tpu.memory_space<hbm>>) target(%arg29 : memref<512x16xf32, #tpu.memory_space<vmem>>) offsets(%arg23 : memref<512xi32, #tpu.memory_space<vmem>>) semaphore(%arg35 : memref<!tpu.dma_semaphore, #tpu.memory_space<semaphore_mem>>)
    %dma_start3A_14 = arith.constant 0 : i32
    %dma_start3A_15 = arith.constant 0 : i32
    %dma_start3A_16 = tpu.memref_slice %arg6[%dma_start3A_14, %dma_start3A_15] : memref<24x16xf32, #tpu.memory_space<hbm>> -> memref<24x16xf32, #tpu.memory_space<hbm>>
    tpu.enqueue_indirect_dma source(%dma_start3A_16 : memref<24x16xf32, #tpu.memory_space<hbm>>) target(%arg30 : memref<512x16xf32, #tpu.memory_space<vmem>>) offsets(%arg24 : memref<512xi32, #tpu.memory_space<vmem>>) semaphore(%arg36 : memref<!tpu.dma_semaphore, #tpu.memory_space<semaphore_mem>>)
    %dma_start3A_17 = arith.constant 0 : i32
    %dma_start3A_18 = arith.constant 0 : i32
    %dma_start3A_19 = tpu.memref_slice %arg7[%dma_start3A_17, %dma_start3A_18] : memref<7x16xf32, #tpu.memory_space<hbm>> -> memref<7x16xf32, #tpu.memory_space<hbm>>
    tpu.enqueue_indirect_dma source(%dma_start3A_19 : memref<7x16xf32, #tpu.memory_space<hbm>>) target(%arg31 : memref<512x16xf32, #tpu.memory_space<vmem>>) offsets(%arg25 : memref<512xi32, #tpu.memory_space<vmem>>) semaphore(%arg37 : memref<!tpu.dma_semaphore, #tpu.memory_space<semaphore_mem>>)
    %dma_wait3A = arith.constant 0 : i32
    %dma_wait3A_20 = arith.constant 0 : i32
    %dma_wait3A_21 = tpu.memref_slice %arg2[%dma_wait3A, %dma_wait3A_20] : memref<1015808x16xf32, #tpu.memory_space<hbm>> -> memref<1015808x16xf32, #tpu.memory_space<hbm>>
    tpu.wait_indirect_dma semaphore(%arg32 : memref<!tpu.dma_semaphore, #tpu.memory_space<semaphore_mem>>) src(%dma_wait3A_21 : memref<1015808x16xf32, #tpu.memory_space<hbm>>) dst(%arg26 : memref<512x16xf32, #tpu.memory_space<vmem>>)
    "tpu.region"() ({
      %run_scoped3A = tpu.sem_alloc : memref<!tpu.dma_semaphore, #tpu.memory_space<semaphore_mem>>
      %dma_start3A_37 = arith.constant 0 : i32
      %dma_start3A_38 = tpu.memref_slice %arg14[%mul3A_2, %dma_start3A_37] : memref<16384x16xf32, #tpu.memory_space<hbm>> -> memref<512x16xf32, #tpu.memory_space<hbm>>
      %dma_start3A_39 = arith.constant 0 : i32
      %dma_start3A_40 = tpu.memref_slice %arg14[%mul3A_2, %dma_start3A_39] : memref<16384x16xf32, #tpu.memory_space<hbm>> -> memref<512x16xf32, #tpu.memory_space<hbm>>
      tpu.enqueue_dma source(%arg26 : memref<512x16xf32, #tpu.memory_space<vmem>>) target(%dma_start3A_40 : memref<512x16xf32, #tpu.memory_space<hbm>>) target_semaphore(%run_scoped3A : memref<!tpu.dma_semaphore, #tpu.memory_space<semaphore_mem>>)
      %dma_wait3A_41 = arith.constant 0 : i32
      %dma_wait3A_42 = tpu.memref_slice %arg14[%mul3A_2, %dma_wait3A_41] : memref<16384x16xf32, #tpu.memory_space<hbm>> -> memref<512x16xf32, #tpu.memory_space<hbm>>
      %dma_wait3A_43 = arith.constant 0 : i32
      %dma_wait3A_44 = tpu.memref_slice %arg14[%mul3A_2, %dma_wait3A_43] : memref<16384x16xf32, #tpu.memory_space<hbm>> -> memref<512x16xf32, #tpu.memory_space<hbm>>
      tpu.wait_dma2 semaphore(%run_scoped3A : memref<!tpu.dma_semaphore, #tpu.memory_space<semaphore_mem>>) src(%arg26 : memref<512x16xf32, #tpu.memory_space<vmem>>) dst(%dma_wait3A_44 : memref<512x16xf32, #tpu.memory_space<hbm>>)
      tpu.yield
    }) : () -> ()
    %dma_wait3A_22 = arith.constant 0 : i32
    %dma_wait3A_23 = arith.constant 0 : i32
    %dma_wait3A_24 = tpu.memref_slice %arg3[%dma_wait3A_22, %dma_wait3A_23] : memref<1015808x16xf32, #tpu.memory_space<hbm>> -> memref<1015808x16xf32, #tpu.memory_space<hbm>>
    tpu.wait_indirect_dma semaphore(%arg33 : memref<!tpu.dma_semaphore, #tpu.memory_space<semaphore_mem>>) src(%dma_wait3A_24 : memref<1015808x16xf32, #tpu.memory_space<hbm>>) dst(%arg27 : memref<512x16xf32, #tpu.memory_space<vmem>>)
    "tpu.region"() ({
      %run_scoped3A = tpu.sem_alloc : memref<!tpu.dma_semaphore, #tpu.memory_space<semaphore_mem>>
      %dma_start3A_37 = arith.constant 0 : i32
      %dma_start3A_38 = tpu.memref_slice %arg15[%mul3A_2, %dma_start3A_37] : memref<16384x16xf32, #tpu.memory_space<hbm>> -> memref<512x16xf32, #tpu.memory_space<hbm>>
      %dma_start3A_39 = arith.constant 0 : i32
      %dma_start3A_40 = tpu.memref_slice %arg15[%mul3A_2, %dma_start3A_39] : memref<16384x16xf32, #tpu.memory_space<hbm>> -> memref<512x16xf32, #tpu.memory_space<hbm>>
      tpu.enqueue_dma source(%arg27 : memref<512x16xf32, #tpu.memory_space<vmem>>) target(%dma_start3A_40 : memref<512x16xf32, #tpu.memory_space<hbm>>) target_semaphore(%run_scoped3A : memref<!tpu.dma_semaphore, #tpu.memory_space<semaphore_mem>>)
      %dma_wait3A_41 = arith.constant 0 : i32
      %dma_wait3A_42 = tpu.memref_slice %arg15[%mul3A_2, %dma_wait3A_41] : memref<16384x16xf32, #tpu.memory_space<hbm>> -> memref<512x16xf32, #tpu.memory_space<hbm>>
      %dma_wait3A_43 = arith.constant 0 : i32
      %dma_wait3A_44 = tpu.memref_slice %arg15[%mul3A_2, %dma_wait3A_43] : memref<16384x16xf32, #tpu.memory_space<hbm>> -> memref<512x16xf32, #tpu.memory_space<hbm>>
      tpu.wait_dma2 semaphore(%run_scoped3A : memref<!tpu.dma_semaphore, #tpu.memory_space<semaphore_mem>>) src(%arg27 : memref<512x16xf32, #tpu.memory_space<vmem>>) dst(%dma_wait3A_44 : memref<512x16xf32, #tpu.memory_space<hbm>>)
      tpu.yield
    }) : () -> ()
    %dma_wait3A_25 = arith.constant 0 : i32
    %dma_wait3A_26 = arith.constant 0 : i32
    %dma_wait3A_27 = tpu.memref_slice %arg4[%dma_wait3A_25, %dma_wait3A_26] : memref<1000x16xf32, #tpu.memory_space<hbm>> -> memref<1000x16xf32, #tpu.memory_space<hbm>>
    tpu.wait_indirect_dma semaphore(%arg34 : memref<!tpu.dma_semaphore, #tpu.memory_space<semaphore_mem>>) src(%dma_wait3A_27 : memref<1000x16xf32, #tpu.memory_space<hbm>>) dst(%arg28 : memref<512x16xf32, #tpu.memory_space<vmem>>)
    "tpu.region"() ({
      %run_scoped3A = tpu.sem_alloc : memref<!tpu.dma_semaphore, #tpu.memory_space<semaphore_mem>>
      %dma_start3A_37 = arith.constant 0 : i32
      %dma_start3A_38 = tpu.memref_slice %arg16[%mul3A_2, %dma_start3A_37] : memref<16384x16xf32, #tpu.memory_space<hbm>> -> memref<512x16xf32, #tpu.memory_space<hbm>>
      %dma_start3A_39 = arith.constant 0 : i32
      %dma_start3A_40 = tpu.memref_slice %arg16[%mul3A_2, %dma_start3A_39] : memref<16384x16xf32, #tpu.memory_space<hbm>> -> memref<512x16xf32, #tpu.memory_space<hbm>>
      tpu.enqueue_dma source(%arg28 : memref<512x16xf32, #tpu.memory_space<vmem>>) target(%dma_start3A_40 : memref<512x16xf32, #tpu.memory_space<hbm>>) target_semaphore(%run_scoped3A : memref<!tpu.dma_semaphore, #tpu.memory_space<semaphore_mem>>)
      %dma_wait3A_41 = arith.constant 0 : i32
      %dma_wait3A_42 = tpu.memref_slice %arg16[%mul3A_2, %dma_wait3A_41] : memref<16384x16xf32, #tpu.memory_space<hbm>> -> memref<512x16xf32, #tpu.memory_space<hbm>>
      %dma_wait3A_43 = arith.constant 0 : i32
      %dma_wait3A_44 = tpu.memref_slice %arg16[%mul3A_2, %dma_wait3A_43] : memref<16384x16xf32, #tpu.memory_space<hbm>> -> memref<512x16xf32, #tpu.memory_space<hbm>>
      tpu.wait_dma2 semaphore(%run_scoped3A : memref<!tpu.dma_semaphore, #tpu.memory_space<semaphore_mem>>) src(%arg28 : memref<512x16xf32, #tpu.memory_space<vmem>>) dst(%dma_wait3A_44 : memref<512x16xf32, #tpu.memory_space<hbm>>)
      tpu.yield
    }) : () -> ()
    %dma_wait3A_28 = arith.constant 0 : i32
    %dma_wait3A_29 = arith.constant 0 : i32
    %dma_wait3A_30 = tpu.memref_slice %arg5[%dma_wait3A_28, %dma_wait3A_29] : memref<10000x16xf32, #tpu.memory_space<hbm>> -> memref<10000x16xf32, #tpu.memory_space<hbm>>
    tpu.wait_indirect_dma semaphore(%arg35 : memref<!tpu.dma_semaphore, #tpu.memory_space<semaphore_mem>>) src(%dma_wait3A_30 : memref<10000x16xf32, #tpu.memory_space<hbm>>) dst(%arg29 : memref<512x16xf32, #tpu.memory_space<vmem>>)
    "tpu.region"() ({
      %run_scoped3A = tpu.sem_alloc : memref<!tpu.dma_semaphore, #tpu.memory_space<semaphore_mem>>
      %dma_start3A_37 = arith.constant 0 : i32
      %dma_start3A_38 = tpu.memref_slice %arg17[%mul3A_2, %dma_start3A_37] : memref<16384x16xf32, #tpu.memory_space<hbm>> -> memref<512x16xf32, #tpu.memory_space<hbm>>
      %dma_start3A_39 = arith.constant 0 : i32
      %dma_start3A_40 = tpu.memref_slice %arg17[%mul3A_2, %dma_start3A_39] : memref<16384x16xf32, #tpu.memory_space<hbm>> -> memref<512x16xf32, #tpu.memory_space<hbm>>
      tpu.enqueue_dma source(%arg29 : memref<512x16xf32, #tpu.memory_space<vmem>>) target(%dma_start3A_40 : memref<512x16xf32, #tpu.memory_space<hbm>>) target_semaphore(%run_scoped3A : memref<!tpu.dma_semaphore, #tpu.memory_space<semaphore_mem>>)
      %dma_wait3A_41 = arith.constant 0 : i32
      %dma_wait3A_42 = tpu.memref_slice %arg17[%mul3A_2, %dma_wait3A_41] : memref<16384x16xf32, #tpu.memory_space<hbm>> -> memref<512x16xf32, #tpu.memory_space<hbm>>
      %dma_wait3A_43 = arith.constant 0 : i32
      %dma_wait3A_44 = tpu.memref_slice %arg17[%mul3A_2, %dma_wait3A_43] : memref<16384x16xf32, #tpu.memory_space<hbm>> -> memref<512x16xf32, #tpu.memory_space<hbm>>
      tpu.wait_dma2 semaphore(%run_scoped3A : memref<!tpu.dma_semaphore, #tpu.memory_space<semaphore_mem>>) src(%arg29 : memref<512x16xf32, #tpu.memory_space<vmem>>) dst(%dma_wait3A_44 : memref<512x16xf32, #tpu.memory_space<hbm>>)
      tpu.yield
    }) : () -> ()
    %dma_wait3A_31 = arith.constant 0 : i32
    %dma_wait3A_32 = arith.constant 0 : i32
    %dma_wait3A_33 = tpu.memref_slice %arg6[%dma_wait3A_31, %dma_wait3A_32] : memref<24x16xf32, #tpu.memory_space<hbm>> -> memref<24x16xf32, #tpu.memory_space<hbm>>
    tpu.wait_indirect_dma semaphore(%arg36 : memref<!tpu.dma_semaphore, #tpu.memory_space<semaphore_mem>>) src(%dma_wait3A_33 : memref<24x16xf32, #tpu.memory_space<hbm>>) dst(%arg30 : memref<512x16xf32, #tpu.memory_space<vmem>>)
    "tpu.region"() ({
      %run_scoped3A = tpu.sem_alloc : memref<!tpu.dma_semaphore, #tpu.memory_space<semaphore_mem>>
      %dma_start3A_37 = arith.constant 0 : i32
      %dma_start3A_38 = tpu.memref_slice %arg18[%mul3A_2, %dma_start3A_37] : memref<16384x16xf32, #tpu.memory_space<hbm>> -> memref<512x16xf32, #tpu.memory_space<hbm>>
      %dma_start3A_39 = arith.constant 0 : i32
      %dma_start3A_40 = tpu.memref_slice %arg18[%mul3A_2, %dma_start3A_39] : memref<16384x16xf32, #tpu.memory_space<hbm>> -> memref<512x16xf32, #tpu.memory_space<hbm>>
      tpu.enqueue_dma source(%arg30 : memref<512x16xf32, #tpu.memory_space<vmem>>) target(%dma_start3A_40 : memref<512x16xf32, #tpu.memory_space<hbm>>) target_semaphore(%run_scoped3A : memref<!tpu.dma_semaphore, #tpu.memory_space<semaphore_mem>>)
      %dma_wait3A_41 = arith.constant 0 : i32
      %dma_wait3A_42 = tpu.memref_slice %arg18[%mul3A_2, %dma_wait3A_41] : memref<16384x16xf32, #tpu.memory_space<hbm>> -> memref<512x16xf32, #tpu.memory_space<hbm>>
      %dma_wait3A_43 = arith.constant 0 : i32
      %dma_wait3A_44 = tpu.memref_slice %arg18[%mul3A_2, %dma_wait3A_43] : memref<16384x16xf32, #tpu.memory_space<hbm>> -> memref<512x16xf32, #tpu.memory_space<hbm>>
      tpu.wait_dma2 semaphore(%run_scoped3A : memref<!tpu.dma_semaphore, #tpu.memory_space<semaphore_mem>>) src(%arg30 : memref<512x16xf32, #tpu.memory_space<vmem>>) dst(%dma_wait3A_44 : memref<512x16xf32, #tpu.memory_space<hbm>>)
      tpu.yield
    }) : () -> ()
    %dma_wait3A_34 = arith.constant 0 : i32
    %dma_wait3A_35 = arith.constant 0 : i32
    %dma_wait3A_36 = tpu.memref_slice %arg7[%dma_wait3A_34, %dma_wait3A_35] : memref<7x16xf32, #tpu.memory_space<hbm>> -> memref<7x16xf32, #tpu.memory_space<hbm>>
    tpu.wait_indirect_dma semaphore(%arg37 : memref<!tpu.dma_semaphore, #tpu.memory_space<semaphore_mem>>) src(%dma_wait3A_36 : memref<7x16xf32, #tpu.memory_space<hbm>>) dst(%arg31 : memref<512x16xf32, #tpu.memory_space<vmem>>)
    "tpu.region"() ({
      %run_scoped3A = tpu.sem_alloc : memref<!tpu.dma_semaphore, #tpu.memory_space<semaphore_mem>>
      %dma_start3A_37 = arith.constant 0 : i32
      %dma_start3A_38 = tpu.memref_slice %arg19[%mul3A_2, %dma_start3A_37] : memref<16384x16xf32, #tpu.memory_space<hbm>> -> memref<512x16xf32, #tpu.memory_space<hbm>>
      %dma_start3A_39 = arith.constant 0 : i32
      %dma_start3A_40 = tpu.memref_slice %arg19[%mul3A_2, %dma_start3A_39] : memref<16384x16xf32, #tpu.memory_space<hbm>> -> memref<512x16xf32, #tpu.memory_space<hbm>>
      tpu.enqueue_dma source(%arg31 : memref<512x16xf32, #tpu.memory_space<vmem>>) target(%dma_start3A_40 : memref<512x16xf32, #tpu.memory_space<hbm>>) target_semaphore(%run_scoped3A : memref<!tpu.dma_semaphore, #tpu.memory_space<semaphore_mem>>)
      %dma_wait3A_41 = arith.constant 0 : i32
      %dma_wait3A_42 = tpu.memref_slice %arg19[%mul3A_2, %dma_wait3A_41] : memref<16384x16xf32, #tpu.memory_space<hbm>> -> memref<512x16xf32, #tpu.memory_space<hbm>>
      %dma_wait3A_43 = arith.constant 0 : i32
      %dma_wait3A_44 = tpu.memref_slice %arg19[%mul3A_2, %dma_wait3A_43] : memref<16384x16xf32, #tpu.memory_space<hbm>> -> memref<512x16xf32, #tpu.memory_space<hbm>>
      tpu.wait_dma2 semaphore(%run_scoped3A : memref<!tpu.dma_semaphore, #tpu.memory_space<semaphore_mem>>) src(%arg31 : memref<512x16xf32, #tpu.memory_space<vmem>>) dst(%dma_wait3A_44 : memref<512x16xf32, #tpu.memory_space<hbm>>)
      tpu.yield
    }) : () -> ()
    return
  }
}

module attributes {stable_mosaic.version = 14 : i64} {
  func.func @_tr_body(%arg0: i32, %arg1: memref<16x16384xf32, #tpu.memory_space<vmem>>, %arg2: memref<16x16384xf32, #tpu.memory_space<vmem>>, %arg3: memref<2048x128xf32, #tpu.memory_space<vmem>>, %arg4: memref<2048x128xf32, #tpu.memory_space<vmem>>) attributes {dimension_semantics = [#tpu.dimension_semantics<arbitrary>], iteration_bounds = array<i64: 62>, scalar_prefetch = 0 : i64, scratch_operands = 0 : i64, tpu.core_type = #tpu.core_type<tc>, window_params = [{transform_indices = @transform_0, window_bounds = array<i64: 16, 16384>}, {transform_indices = @transform_1, window_bounds = array<i64: 16, 16384>}, {transform_indices = @transform_2, window_bounds = array<i64: 2048, 128>}, {transform_indices = @transform_3, window_bounds = array<i64: 2048, 128>}]} {
    %iota3A = tpu.iota {dimensions = array<i32: 1>} : vector<128x128xi32>
    %iota3A_0 = tpu.iota {dimensions = array<i32: 0>} : vector<128x128xi32>
    %eq3A = arith.cmpi eq, %iota3A, %iota3A_0 : vector<128x128xi32>
    %convert_element_type3A = arith.extui %eq3A : vector<128x128xi1> to vector<128x128xi32>
    %convert_element_type3A_1 = arith.sitofp %convert_element_type3A : vector<128x128xi32> to vector<128x128xf32>
    %get3A = arith.constant 0 : index
    %get3A_2 = arith.constant 0 : index
    %get3A_3 = vector.load %arg1[%get3A, %get3A_2] : memref<16x16384xf32, #tpu.memory_space<vmem>>, vector<16x16384xf32>
    %slice3A = vector.extract_strided_slice %get3A_3 {offsets = [0, 0], sizes = [16, 2048], strides = [1, 1]} : vector<16x16384xf32> to vector<16x2048xf32>
    %slice3A_4 = vector.extract_strided_slice %get3A_3 {offsets = [0, 2048], sizes = [16, 2048], strides = [1, 1]} : vector<16x16384xf32> to vector<16x2048xf32>
    %slice3A_5 = vector.extract_strided_slice %get3A_3 {offsets = [0, 4096], sizes = [16, 2048], strides = [1, 1]} : vector<16x16384xf32> to vector<16x2048xf32>
    %slice3A_6 = vector.extract_strided_slice %get3A_3 {offsets = [0, 6144], sizes = [16, 2048], strides = [1, 1]} : vector<16x16384xf32> to vector<16x2048xf32>
    %slice3A_7 = vector.extract_strided_slice %get3A_3 {offsets = [0, 8192], sizes = [16, 2048], strides = [1, 1]} : vector<16x16384xf32> to vector<16x2048xf32>
    %slice3A_8 = vector.extract_strided_slice %get3A_3 {offsets = [0, 10240], sizes = [16, 2048], strides = [1, 1]} : vector<16x16384xf32> to vector<16x2048xf32>
    %slice3A_9 = vector.extract_strided_slice %get3A_3 {offsets = [0, 12288], sizes = [16, 2048], strides = [1, 1]} : vector<16x16384xf32> to vector<16x2048xf32>
    %slice3A_10 = vector.extract_strided_slice %get3A_3 {offsets = [0, 14336], sizes = [16, 2048], strides = [1, 1]} : vector<16x16384xf32> to vector<16x2048xf32>
    %concatenate3A = tpu.concatenate %slice3A, %slice3A_4, %slice3A_5, %slice3A_6, %slice3A_7, %slice3A_8, %slice3A_9, %slice3A_10 in 0 : vector<16x2048xf32>, vector<16x2048xf32>, vector<16x2048xf32>, vector<16x2048xf32>, vector<16x2048xf32>, vector<16x2048xf32>, vector<16x2048xf32>, vector<16x2048xf32> -> vector<128x2048xf32>
    %dot_general3A = arith.constant dense<0.000000e+00> : vector<2048x128xf32>
    %dot_general3A_11 = tpu.matmul %concatenate3A, %convert_element_type3A_1, %dot_general3A {dimension_numbers = #tpu.dot_dimension_numbers<[0], [0], [1], [1], [0, 1, 1, 1], [], []>, transpose_lhs_hint = true} : vector<128x2048xf32>, vector<128x128xf32>, vector<2048x128xf32> -> vector<2048x128xf32>
    %swap3A = arith.constant 0 : index
    %swap3A_12 = arith.constant 0 : index
    %swap3A_13 = vector.load %arg3[%swap3A, %swap3A_12] : memref<2048x128xf32, #tpu.memory_space<vmem>>, vector<2048x128xf32>
    tpu.vector_store %arg3[%swap3A, %swap3A_12], %dot_general3A_11 {strides = array<i32>} : memref<2048x128xf32, #tpu.memory_space<vmem>>, vector<2048x128xf32>,
    %get3A_14 = arith.constant 0 : index
    %get3A_15 = arith.constant 0 : index
    %get3A_16 = vector.load %arg2[%get3A_14, %get3A_15] : memref<16x16384xf32, #tpu.memory_space<vmem>>, vector<16x16384xf32>
    %slice3A_17 = vector.extract_strided_slice %get3A_16 {offsets = [0, 0], sizes = [16, 2048], strides = [1, 1]} : vector<16x16384xf32> to vector<16x2048xf32>
    %slice3A_18 = vector.extract_strided_slice %get3A_16 {offsets = [0, 2048], sizes = [16, 2048], strides = [1, 1]} : vector<16x16384xf32> to vector<16x2048xf32>
    %slice3A_19 = vector.extract_strided_slice %get3A_16 {offsets = [0, 4096], sizes = [16, 2048], strides = [1, 1]} : vector<16x16384xf32> to vector<16x2048xf32>
    %slice3A_20 = vector.extract_strided_slice %get3A_16 {offsets = [0, 6144], sizes = [16, 2048], strides = [1, 1]} : vector<16x16384xf32> to vector<16x2048xf32>
    %slice3A_21 = vector.extract_strided_slice %get3A_16 {offsets = [0, 8192], sizes = [16, 2048], strides = [1, 1]} : vector<16x16384xf32> to vector<16x2048xf32>
    %slice3A_22 = vector.extract_strided_slice %get3A_16 {offsets = [0, 10240], sizes = [16, 2048], strides = [1, 1]} : vector<16x16384xf32> to vector<16x2048xf32>
    %slice3A_23 = vector.extract_strided_slice %get3A_16 {offsets = [0, 12288], sizes = [16, 2048], strides = [1, 1]} : vector<16x16384xf32> to vector<16x2048xf32>
    %slice3A_24 = vector.extract_strided_slice %get3A_16 {offsets = [0, 14336], sizes = [16, 2048], strides = [1, 1]} : vector<16x16384xf32> to vector<16x2048xf32>
    %concatenate3A_25 = tpu.concatenate %slice3A_17, %slice3A_18, %slice3A_19, %slice3A_20, %slice3A_21, %slice3A_22, %slice3A_23, %slice3A_24 in 0 : vector<16x2048xf32>, vector<16x2048xf32>, vector<16x2048xf32>, vector<16x2048xf32>, vector<16x2048xf32>, vector<16x2048xf32>, vector<16x2048xf32>, vector<16x2048xf32> -> vector<128x2048xf32>
    %dot_general3A_26 = arith.constant dense<0.000000e+00> : vector<2048x128xf32>
    %dot_general3A_27 = tpu.matmul %concatenate3A_25, %convert_element_type3A_1, %dot_general3A_26 {dimension_numbers = #tpu.dot_dimension_numbers<[0], [0], [1], [1], [0, 1, 1, 1], [], []>, transpose_lhs_hint = true} : vector<128x2048xf32>, vector<128x128xf32>, vector<2048x128xf32> -> vector<2048x128xf32>
    %swap3A_28 = arith.constant 0 : index
    %swap3A_29 = arith.constant 0 : index
    %swap3A_30 = vector.load %arg4[%swap3A_28, %swap3A_29] : memref<2048x128xf32, #tpu.memory_space<vmem>>, vector<2048x128xf32>
    tpu.vector_store %arg4[%swap3A_28, %swap3A_29], %dot_general3A_27 {strides = array<i32>} : memref<2048x128xf32, #tpu.memory_space<vmem>>, vector<2048x128xf32>,
    return
  }
  func.func @transform_0(%arg0: i32) -> (i32, i32) {
    %c0_i32 = arith.constant 0 : i32
    %c0_i32_0 = arith.constant 0 : i32
    return %c0_i32, %arg0 : i32, i32
  }
  func.func @transform_1(%arg0: i32) -> (i32, i32) {
    %c0_i32 = arith.constant 0 : i32
    %c0_i32_0 = arith.constant 0 : i32
    return %c0_i32, %arg0 : i32, i32
  }
  func.func @transform_2(%arg0: i32) -> (i32, i32) {
    %c0_i32 = arith.constant 0 : i32
    %c0_i32_0 = arith.constant 0 : i32
    return %arg0, %c0_i32 : i32, i32
  }
  func.func @transform_3(%arg0: i32) -> (i32, i32) {
    %c0_i32 = arith.constant 0 : i32
    %c0_i32_0 = arith.constant 0 : i32
    return %arg0, %c0_i32 : i32, i32
  }
}

module attributes {stable_mosaic.version = 14 : i64} {
  func.func @_mlp_body(%arg0: i32, %arg1: memref<2048x16xf32, #tpu.memory_space<vmem>>, %arg2: memref<2048x16xf32, #tpu.memory_space<vmem>>, %arg3: memref<2048x16xf32, #tpu.memory_space<vmem>>, %arg4: memref<2048x16xf32, #tpu.memory_space<vmem>>, %arg5: memref<2048x16xf32, #tpu.memory_space<vmem>>, %arg6: memref<2048x16xf32, #tpu.memory_space<vmem>>, %arg7: memref<96x256xf32, #tpu.memory_space<vmem>>, %arg8: memref<1x256xf32, #tpu.memory_space<vmem>>, %arg9: memref<256x128xf32, #tpu.memory_space<vmem>>, %arg10: memref<1x128xf32, #tpu.memory_space<vmem>>, %arg11: memref<128x1xf32, #tpu.memory_space<vmem>>, %arg12: memref<1x1xf32, #tpu.memory_space<vmem>>, %arg13: memref<2048x1xf32, #tpu.memory_space<vmem>>) attributes {dimension_semantics = [#tpu.dimension_semantics<arbitrary>], iteration_bounds = array<i64: 8>, scalar_prefetch = 0 : i64, scratch_operands = 0 : i64, tpu.core_type = #tpu.core_type<tc>, window_params = [{transform_indices = @transform_0, window_bounds = array<i64: 2048, 16>}, {transform_indices = @transform_1, window_bounds = array<i64: 2048, 16>}, {transform_indices = @transform_2, window_bounds = array<i64: 2048, 16>}, {transform_indices = @transform_3, window_bounds = array<i64: 2048, 16>}, {transform_indices = @transform_4, window_bounds = array<i64: 2048, 16>}, {transform_indices = @transform_5, window_bounds = array<i64: 2048, 16>}, {pipeline_mode = #tpu.pipeline_mode<synchronous>, transform_indices = @transform_6, window_bounds = array<i64: 96, 256>}, {pipeline_mode = #tpu.pipeline_mode<synchronous>, transform_indices = @transform_7, window_bounds = array<i64: 1, 256>}, {pipeline_mode = #tpu.pipeline_mode<synchronous>, transform_indices = @transform_8, window_bounds = array<i64: 256, 128>}, {pipeline_mode = #tpu.pipeline_mode<synchronous>, transform_indices = @transform_9, window_bounds = array<i64: 1, 128>}, {pipeline_mode = #tpu.pipeline_mode<synchronous>, transform_indices = @transform_10, window_bounds = array<i64: 128, 1>}, {pipeline_mode = #tpu.pipeline_mode<synchronous>, transform_indices = @transform_11, window_bounds = array<i64: 1, 1>}, {transform_indices = @transform_12, window_bounds = array<i64: 2048, 1>}]} {
    %get3A = arith.constant 0 : index
    %get3A_0 = arith.constant 0 : index
    %get3A_1 = vector.load %arg7[%get3A, %get3A_0] : memref<96x256xf32, #tpu.memory_space<vmem>>, vector<96x256xf32>
    %get3A_2 = arith.constant 0 : index
    %get3A_3 = arith.constant 0 : index
    %get3A_4 = vector.load %arg1[%get3A_2, %get3A_3] : memref<2048x16xf32, #tpu.memory_space<vmem>>, vector<2048x16xf32>
    %slice3A = vector.extract_strided_slice %get3A_1 {offsets = [0, 0], sizes = [16, 256], strides = [1, 1]} : vector<96x256xf32> to vector<16x256xf32>
    %dot_general3A = arith.constant dense<0.000000e+00> : vector<2048x256xf32>
    %dot_general3A_5 = tpu.matmul %get3A_4, %slice3A, %dot_general3A {dimension_numbers = #tpu.dot_dimension_numbers<[1], [0], [0], [1], [0, 0, 1, 1], [], []>, transpose_lhs_hint = false} : vector<2048x16xf32>, vector<16x256xf32>, vector<2048x256xf32> -> vector<2048x256xf32>
    %get3A_6 = arith.constant 0 : index
    %get3A_7 = arith.constant 0 : index
    %get3A_8 = vector.load %arg2[%get3A_6, %get3A_7] : memref<2048x16xf32, #tpu.memory_space<vmem>>, vector<2048x16xf32>
    %slice3A_9 = vector.extract_strided_slice %get3A_1 {offsets = [16, 0], sizes = [16, 256], strides = [1, 1]} : vector<96x256xf32> to vector<16x256xf32>
    %dot_general3A_10 = arith.constant dense<0.000000e+00> : vector<2048x256xf32>
    %dot_general3A_11 = tpu.matmul %get3A_8, %slice3A_9, %dot_general3A_10 {dimension_numbers = #tpu.dot_dimension_numbers<[1], [0], [0], [1], [0, 0, 1, 1], [], []>, transpose_lhs_hint = false} : vector<2048x16xf32>, vector<16x256xf32>, vector<2048x256xf32> -> vector<2048x256xf32>
    %add3A = arith.addf %dot_general3A_5, %dot_general3A_11 : vector<2048x256xf32>
    %get3A_12 = arith.constant 0 : index
    %get3A_13 = arith.constant 0 : index
    %get3A_14 = vector.load %arg3[%get3A_12, %get3A_13] : memref<2048x16xf32, #tpu.memory_space<vmem>>, vector<2048x16xf32>
    %slice3A_15 = vector.extract_strided_slice %get3A_1 {offsets = [32, 0], sizes = [16, 256], strides = [1, 1]} : vector<96x256xf32> to vector<16x256xf32>
    %dot_general3A_16 = arith.constant dense<0.000000e+00> : vector<2048x256xf32>
    %dot_general3A_17 = tpu.matmul %get3A_14, %slice3A_15, %dot_general3A_16 {dimension_numbers = #tpu.dot_dimension_numbers<[1], [0], [0], [1], [0, 0, 1, 1], [], []>, transpose_lhs_hint = false} : vector<2048x16xf32>, vector<16x256xf32>, vector<2048x256xf32> -> vector<2048x256xf32>
    %add3A_18 = arith.addf %add3A, %dot_general3A_17 : vector<2048x256xf32>
    %get3A_19 = arith.constant 0 : index
    %get3A_20 = arith.constant 0 : index
    %get3A_21 = vector.load %arg4[%get3A_19, %get3A_20] : memref<2048x16xf32, #tpu.memory_space<vmem>>, vector<2048x16xf32>
    %slice3A_22 = vector.extract_strided_slice %get3A_1 {offsets = [48, 0], sizes = [16, 256], strides = [1, 1]} : vector<96x256xf32> to vector<16x256xf32>
    %dot_general3A_23 = arith.constant dense<0.000000e+00> : vector<2048x256xf32>
    %dot_general3A_24 = tpu.matmul %get3A_21, %slice3A_22, %dot_general3A_23 {dimension_numbers = #tpu.dot_dimension_numbers<[1], [0], [0], [1], [0, 0, 1, 1], [], []>, transpose_lhs_hint = false} : vector<2048x16xf32>, vector<16x256xf32>, vector<2048x256xf32> -> vector<2048x256xf32>
    %add3A_25 = arith.addf %add3A_18, %dot_general3A_24 : vector<2048x256xf32>
    %get3A_26 = arith.constant 0 : index
    %get3A_27 = arith.constant 0 : index
    %get3A_28 = vector.load %arg5[%get3A_26, %get3A_27] : memref<2048x16xf32, #tpu.memory_space<vmem>>, vector<2048x16xf32>
    %slice3A_29 = vector.extract_strided_slice %get3A_1 {offsets = [64, 0], sizes = [16, 256], strides = [1, 1]} : vector<96x256xf32> to vector<16x256xf32>
    %dot_general3A_30 = arith.constant dense<0.000000e+00> : vector<2048x256xf32>
    %dot_general3A_31 = tpu.matmul %get3A_28, %slice3A_29, %dot_general3A_30 {dimension_numbers = #tpu.dot_dimension_numbers<[1], [0], [0], [1], [0, 0, 1, 1], [], []>, transpose_lhs_hint = false} : vector<2048x16xf32>, vector<16x256xf32>, vector<2048x256xf32> -> vector<2048x256xf32>
    %add3A_32 = arith.addf %add3A_25, %dot_general3A_31 : vector<2048x256xf32>
    %get3A_33 = arith.constant 0 : index
    %get3A_34 = arith.constant 0 : index
    %get3A_35 = vector.load %arg6[%get3A_33, %get3A_34] : memref<2048x16xf32, #tpu.memory_space<vmem>>, vector<2048x16xf32>
    %slice3A_36 = vector.extract_strided_slice %get3A_1 {offsets = [80, 0], sizes = [16, 256], strides = [1, 1]} : vector<96x256xf32> to vector<16x256xf32>
    %dot_general3A_37 = arith.constant dense<0.000000e+00> : vector<2048x256xf32>
    %dot_general3A_38 = tpu.matmul %get3A_35, %slice3A_36, %dot_general3A_37 {dimension_numbers = #tpu.dot_dimension_numbers<[1], [0], [0], [1], [0, 0, 1, 1], [], []>, transpose_lhs_hint = false} : vector<2048x16xf32>, vector<16x256xf32>, vector<2048x256xf32> -> vector<2048x256xf32>
    %add3A_39 = arith.addf %add3A_32, %dot_general3A_38 : vector<2048x256xf32>
    %get3A_40 = arith.constant 0 : index
    %get3A_41 = arith.constant 0 : index
    %get3A_42 = vector.load %arg8[%get3A_40, %get3A_41] : memref<1x256xf32, #tpu.memory_space<vmem>>, vector<1x256xf32>
    %add3A_43 = vector.broadcast %get3A_42 : vector<1x256xf32> to vector<2048x256xf32>
    %add3A_44 = arith.addf %add3A_39, %add3A_43 : vector<2048x256xf32>
    %max3A = arith.constant 0.000000e+00 : f32
    %max3A_45 = vector.broadcast %max3A : f32 to vector<2048x256xf32>
    %max3A_46 = arith.maximumf %add3A_44, %max3A_45 : vector<2048x256xf32>
    %get3A_47 = arith.constant 0 : index
    %get3A_48 = arith.constant 0 : index
    %get3A_49 = vector.load %arg9[%get3A_47, %get3A_48] : memref<256x128xf32, #tpu.memory_space<vmem>>, vector<256x128xf32>
    %dot_general3A_50 = arith.constant dense<0.000000e+00> : vector<2048x128xf32>
    %dot_general3A_51 = tpu.matmul %max3A_46, %get3A_49, %dot_general3A_50 {dimension_numbers = #tpu.dot_dimension_numbers<[1], [0], [0], [1], [0, 0, 1, 1], [], []>, transpose_lhs_hint = false} : vector<2048x256xf32>, vector<256x128xf32>, vector<2048x128xf32> -> vector<2048x128xf32>
    %get3A_52 = arith.constant 0 : index
    %get3A_53 = arith.constant 0 : index
    %get3A_54 = vector.load %arg10[%get3A_52, %get3A_53] : memref<1x128xf32, #tpu.memory_space<vmem>>, vector<1x128xf32>
    %add3A_55 = vector.broadcast %get3A_54 : vector<1x128xf32> to vector<2048x128xf32>
    %add3A_56 = arith.addf %dot_general3A_51, %add3A_55 : vector<2048x128xf32>
    %max3A_57 = arith.constant 0.000000e+00 : f32
    %max3A_58 = vector.broadcast %max3A_57 : f32 to vector<2048x128xf32>
    %max3A_59 = arith.maximumf %add3A_56, %max3A_58 : vector<2048x128xf32>
    %get3A_60 = arith.constant 0 : index
    %get3A_61 = arith.constant 0 : index
    %get3A_62 = vector.load %arg11[%get3A_60, %get3A_61] : memref<128x1xf32, #tpu.memory_space<vmem>>, vector<128x1xf32>
    %dot_general3A_63 = arith.constant dense<0.000000e+00> : vector<2048x1xf32>
    %dot_general3A_64 = tpu.matmul %max3A_59, %get3A_62, %dot_general3A_63 {dimension_numbers = #tpu.dot_dimension_numbers<[1], [0], [0], [1], [0, 0, 1, 1], [], []>, transpose_lhs_hint = false} : vector<2048x128xf32>, vector<128x1xf32>, vector<2048x1xf32> -> vector<2048x1xf32>
    %get3A_65 = arith.constant 0 : index
    %get3A_66 = arith.constant 0 : index
    %get3A_67 = vector.load %arg12[%get3A_65, %get3A_66] : memref<1x1xf32, #tpu.memory_space<vmem>>, vector<1x1xf32>
    %add3A_68 = vector.broadcast %get3A_67 : vector<1x1xf32> to vector<2048x1xf32>
    %add3A_69 = arith.addf %dot_general3A_64, %add3A_68 : vector<2048x1xf32>
    %swap3A = arith.constant 0 : index
    %swap3A_70 = arith.constant 0 : index
    %swap3A_71 = vector.load %arg13[%swap3A, %swap3A_70] : memref<2048x1xf32, #tpu.memory_space<vmem>>, vector<2048x1xf32>
    tpu.vector_store %arg13[%swap3A, %swap3A_70], %add3A_69 {strides = array<i32>} : memref<2048x1xf32, #tpu.memory_space<vmem>>, vector<2048x1xf32>,
    return
  }
  func.func @transform_0(%arg0: i32) -> (i32, i32) {
    %c0_i32 = arith.constant 0 : i32
    %c0_i32_0 = arith.constant 0 : i32
    return %arg0, %c0_i32 : i32, i32
  }
  func.func @transform_1(%arg0: i32) -> (i32, i32) {
    %c0_i32 = arith.constant 0 : i32
    %c0_i32_0 = arith.constant 0 : i32
    return %arg0, %c0_i32 : i32, i32
  }
  func.func @transform_2(%arg0: i32) -> (i32, i32) {
    %c0_i32 = arith.constant 0 : i32
    %c0_i32_0 = arith.constant 0 : i32
    return %arg0, %c0_i32 : i32, i32
  }
  func.func @transform_3(%arg0: i32) -> (i32, i32) {
    %c0_i32 = arith.constant 0 : i32
    %c0_i32_0 = arith.constant 0 : i32
    return %arg0, %c0_i32 : i32, i32
  }
  func.func @transform_4(%arg0: i32) -> (i32, i32) {
    %c0_i32 = arith.constant 0 : i32
    %c0_i32_0 = arith.constant 0 : i32
    return %arg0, %c0_i32 : i32, i32
  }
  func.func @transform_5(%arg0: i32) -> (i32, i32) {
    %c0_i32 = arith.constant 0 : i32
    %c0_i32_0 = arith.constant 0 : i32
    return %arg0, %c0_i32 : i32, i32
  }
  func.func @transform_6(%arg0: i32) -> (i32, i32) {
    %c0_i32 = arith.constant 0 : i32
    %c0_i32_0 = arith.constant 0 : i32
    %c0_i32_1 = arith.constant 0 : i32
    return %c0_i32, %c0_i32_0 : i32, i32
  }
  func.func @transform_7(%arg0: i32) -> (i32, i32) {
    %c0_i32 = arith.constant 0 : i32
    %c0_i32_0 = arith.constant 0 : i32
    %c0_i32_1 = arith.constant 0 : i32
    return %c0_i32, %c0_i32_0 : i32, i32
  }
  func.func @transform_8(%arg0: i32) -> (i32, i32) {
    %c0_i32 = arith.constant 0 : i32
    %c0_i32_0 = arith.constant 0 : i32
    %c0_i32_1 = arith.constant 0 : i32
    return %c0_i32, %c0_i32_0 : i32, i32
  }
  func.func @transform_9(%arg0: i32) -> (i32, i32) {
    %c0_i32 = arith.constant 0 : i32
    %c0_i32_0 = arith.constant 0 : i32
    %c0_i32_1 = arith.constant 0 : i32
    return %c0_i32, %c0_i32_0 : i32, i32
  }
  func.func @transform_10(%arg0: i32) -> (i32, i32) {
    %c0_i32 = arith.constant 0 : i32
    %c0_i32_0 = arith.constant 0 : i32
    %c0_i32_1 = arith.constant 0 : i32
    return %c0_i32, %c0_i32_0 : i32, i32
  }
  func.func @transform_11(%arg0: i32) -> (i32, i32) {
    %c0_i32 = arith.constant 0 : i32
    %c0_i32_0 = arith.constant 0 : i32
    %c0_i32_1 = arith.constant 0 : i32
    return %c0_i32, %c0_i32_0 : i32, i32
  }
  func.func @transform_12(%arg0: i32) -> (i32, i32) {
    %c0_i32 = arith.constant 0 : i32
    %c0_i32_0 = arith.constant 0 : i32
    return %arg0, %c0_i32 : i32, i32
  }
}

</mosaic_0001>

<sc_bundles>
// kernel: kernel.5.cloned.1.call-start
scs
__scs_entry_jumppad:
0x0: {  	(pc) =	sbr.rel $0x88, $3  }
0x1: {  	(tag) =	ssettag $0x0;
	lr =	simm.s32 $0x1  }
0x2: {  	[smem:$0x3F8F] =	sst lr;
	_ =	strace $0xD0000000  }
0x3: {  	_ = 	snop  }
0x4: {  	_ = 	snop  }
0x5: {  	_ = 	snop  }
0x6: {  	_ = 	snop  }
0x7: {  	_ = 	snop  }
__scs_overlays_trampoline_lowered:
0x8: {  	[smem:$0x3F9E] =	sst s0  }
0x9: {  	[smem:$0x3F9F] =	sst s1  }
0xa: {  	[smem:$0x3FA0] =	sst s2  }
0xb: {  	[smem:$0x3FA1] =	sst s3  }
0xc: {  	[smem:$0x3FA2] =	sst s4  }
0xd: {  	[smem:$0x3FA3] =	sst s5  }
0xe: {  	[smem:$0x3FA4] =	sst s6  }
0xf: {  	[smem:$0x3FA5] =	sst s7  }
0x10: {  	[smem:$0x3FA6] =	sst s8  }
0x11: {  	[smem:$0x3FA7] =	sst s9;
	s0 =	simm.s32 @!p0 $0x0  }
0x12: {  	s1 =	sld [smem:$0x3F8D];
	s0 =	simm.s32 @p0 $0x1  }
0x13: {  	[smem:$0x3FA8] =	sst s0;
	s0 =	simm.s32 @!p1 $0x0  }
0x14: {  	s2 =	sld [smem:$0x3F8C];
	s0 =	simm.s32 @p1 $0x1  }
0x15: {  	[smem:$0x3FA9] =	sst s0;
	s0 =	simm.s32 @!p2 $0x0  }
0x16: {  	s3 =	sld [smem:$0x3FDB];
	s0 =	simm.s32 @p2 $0x1  }
0x17: {  	s4 =	simm.s32 $0x1BF5;
	[smem:$0x3FAB] =	sst s0  }
0x18: {  	s0 =	sld [smem:$0x3F8E];
	_ =	swait.ge [sflag:s4], $0x0  }
0x19: {  	s7 =	sld [smem:$0x3F8F]  }
0x1a: {  	s8 =	sadd.s32 $0xFFFFE003, lr  }
0x1b: {  	s9 =	sadd.s32 $0xFFFFFEF7, lr;
	s5 =	simm.s32 $0xFFFFFFFF;
	p2 =	slt.u32 s8, $0xFFFFF086  }
0x1c: {  	p1 =	slt.u32 s9, $0xF7A;
	s5 =	simm.s32 @!p2 $0x0  }
0x1d: {  	s5 =	simm.s32 @p1 $0x1;
	p0 =	seq.s32 s7, s2  }
0x1e: {  	s7 =	smul.u32 @!p0 $0xF7A, s2;
	p2 =	seq.s32 @!p0 s5, $0x0  }
0x1f: {  	s9 =	smul.u32 $0xF7A, s1;
	s8 =	simm.s32 @!p0 $0x1BF5;
	p2 =	por !p2, p0  }
0x20: {  	[sflag:s8] =	ssyncset.s32 @!p0 $0xFFFFF086;
	s6 =	sadd.s32 @!p0 s3, s7;
	s7 =	simm.s32 @!p0 $0x108  }
0x21: {  	s3 =	sadd.s32 s3, s9;
	s6 =	sadd.s32 @!p0 $0x88, s6;
	s7 =	simm.s32 @p2 $0x1082  }
0x22: {  	[simem:s7], [sflag:s8] =	dma.local @!p0 [hbm:s6], $0xF7A  }
0x23: {  	s9 =	sor.u32 $0xD0000000, s2;
	s6 =	simm.s32 $0x108;
	_ =	swait.ge @!p0 [sflag:s8], $0x0  }
0x24: {  	s3 =	sadd.s32 $0x88, s3;
	s6 =	simm.s32 @!p1 $0x1082;
	[sflag:s4] =	ssyncset.s32 $0xFFFFF086  }
0x25: {  	[simem:s6], [sflag:s4] =	dma.local [hbm:s3], $0xF7A  }
0x26: {  	[smem:$0x3F8F] =	sst s1;
	(tag) =	ssettag s2;
	_ =	strace s9  }
0x27: {  	s1 =	sld [smem:$0x3F9F]  }
0x28: {  	s2 =	sld [smem:$0x3FA0]  }
0x29: {  	s4 =	sld [smem:$0x3FA2]  }
0x2a: {  	p0 =	seq.s32 s5, $0x0;
	s5 =	sld [smem:$0x3FA3]  }
0x2b: {  	s6 =	sld [smem:$0x3FA4]  }
0x2c: {  	s7 =	sld [smem:$0x3FA5]  }
0x2d: {  	s3 =	simm.s32 $0x108;
	s8 =	sld [smem:$0x3FA6]  }
0x2e: {  	s3 =	simm.s32 @!p0 $0x1082;
	s9 =	sld [smem:$0x3FA7]  }
0x2f: {  	lr =	sadd.s32 s0, s3;
	s0 =	sld [smem:$0x3F9E]  }
0x30: {  	s3 =	sld [smem:$0x3FA1]  }
0x31: {  	[smem:$0x3FAA] =	sst s10  }
0x32: {  	s10 =	sld [smem:$0x3FA8];
	_ =	sdelay $0x3  }
0x33: {  	p0 =	seq.s32 s10, $0x1;
	s10 =	sld [smem:$0x3FAA];
	_ =	sdelay $0x3  }
0x34: {  	[smem:$0x3FAA] =	sst s10  }
0x35: {  	s10 =	sld [smem:$0x3FA9];
	_ =	sdelay $0x3  }
0x36: {  	p1 =	seq.s32 s10, $0x1;
	s10 =	sld [smem:$0x3FAA];
	_ =	sdelay $0x3  }
0x37: {  	[smem:$0x3FAA] =	sst s10  }
0x38: {  	s10 =	sld [smem:$0x3FAB]  }
0x39: {  	_ = 	snop;
	(pc) =	sbr.ind lr, $3  }
0x3a: {  	_ = 	snop  }
0x3b: {  	_ = 	snop  }
0x3c: {  	p2 =	seq.s32 s10, $0x1;
	s10 =	sld [smem:$0x3FAA]  }
0x3d: {  	_ =	shalt  }
0x3e: {  	_ =	shalt  }
0x3f: {  	_ =	shalt  }
0x40: {  	_ =	shalt  }
0x41: {  	_ =	shalt  }
0x42: {  	_ =	shalt  }
0x43: {  	_ =	shalt  }
0x44: {  	_ =	shalt  }
0x45: {  	_ =	shalt  }
0x46: {  	_ =	shalt  }
0x47: {  	_ =	shalt  }
0x48: {  	_ =	shalt  }
0x49: {  	_ =	shalt  }
0x4a: {  	_ =	shalt  }
0x4b: {  	_ =	shalt  }
0x4c: {  	_ =	shalt  }
0x4d: {  	_ =	shalt  }
0x4e: {  	_ =	shalt  }
0x4f: {  	_ =	shalt  }
0x50: {  	_ =	shalt  }
0x51: {  	_ =	shalt  }
0x52: {  	_ =	shalt  }
0x53: {  	_ =	shalt  }
0x54: {  	_ =	shalt  }
0x55: {  	_ =	shalt  }
0x56: {  	_ =	shalt  }
0x57: {  	_ =	shalt  }
0x58: {  	_ =	shalt  }
0x59: {  	_ =	shalt  }
0x5a: {  	_ =	shalt  }
0x5b: {  	_ =	shalt  }
0x5c: {  	_ =	shalt  }
0x5d: {  	_ =	shalt  }
0x5e: {  	_ =	shalt  }
0x5f: {  	_ =	shalt  }
0x60: {  	_ =	shalt  }
0x61: {  	_ =	shalt  }
0x62: {  	_ =	shalt  }
0x63: {  	_ =	shalt  }
0x64: {  	_ =	shalt  }
0x65: {  	_ =	shalt  }
0x66: {  	_ =	shalt  }
0x67: {  	_ =	shalt  }
0x68: {  	_ =	shalt  }
0x69: {  	_ =	shalt  }
0x6a: {  	_ =	shalt  }
0x6b: {  	_ =	shalt  }
0x6c: {  	_ =	shalt  }
0x6d: {  	_ =	shalt  }
0x6e: {  	_ =	shalt  }
0x6f: {  	_ =	shalt  }
0x70: {  	_ =	shalt  }
0x71: {  	_ =	shalt  }
0x72: {  	_ =	shalt  }
0x73: {  	_ =	shalt  }
0x74: {  	_ =	shalt  }
0x75: {  	_ =	shalt  }
0x76: {  	_ =	shalt  }
0x77: {  	_ =	shalt  }
0x78: {  	_ =	shalt  }
0x79: {  	_ =	shalt  }
0x7a: {  	_ =	shalt  }
0x7b: {  	_ =	shalt  }
0x7c: {  	_ =	shalt  }
0x7d: {  	_ =	shalt  }
0x7e: {  	_ =	shalt  }
0x7f: {  	_ =	shalt  }
0x80: {  	_ =	shalt  }
0x81: {  	_ =	shalt  }
0x82: {  	_ =	shalt  }
0x83: {  	_ =	shalt  }
0x84: {  	_ =	shalt  }
0x85: {  	_ =	shalt  }
0x86: {  	_ =	shalt  }
0x87: {  	_ =	shalt  }
.Lfunc_end0:
.L_simem_size_0:
called_computation_lowered:
.L_overlay_start_0:
0x88: {  	s2 =	sld [smem:$0x3FD9]  }
0x89: {  	s3 =	sld [smem:$0x3FFE];
	_ =	sdelay $0x1  }
0x8a: {  	s1 =	srdreg.scid  }
0x8b: {  	s0 =	sand.u32 $0x1, s1  }
0x8c: {  	s17 =	sshll.u32 s0, $0xA;
	s2 =	sadd.s32 s3, s2  }
0x8d: {  	s2 =	sadd.s32 s2, s17  }
0x8e: {  	[smem:$0x3FB6] =	sst s2  }
0x8f: {  	_ = 	snop  }
0x90: {  	s2 =	sld [smem:$0x3FC5]  }
0x91: {  	s18 =	sld [smem:$0x3FC3]  }
0x92: {  	s4 =	sld [smem:$0x3FC1]  }
0x93: {  	s5 =	sld [smem:$0x3FBF]  }
0x94: {  	s6 =	sld [smem:$0x3FD0];
	(tm) =	ssettm $0x1  }
0x95: {  	s7 =	sld [smem:$0x3FFB];
	_ =	sdelay $0x3  }
0x96: {  	_ =	strace s7  }
0x97: {  	s7 =	sld [smem:$0x3FFC];
	_ =	sdelay $0x3  }
0x98: {  	_ =	strace s7  }
0x99: {  	s7 =	sld [smem:$0x3FFD];
	_ =	sdelay $0x3  }
0x9a: {  	_ =	strace s7  }
0x9b: {  	_ =	strace $0x8FFFFFFF  }
0x9c: {  	s19 =	sld [smem:$0x3FDB];
	_ =	sdelay $0x1  }
0x9d: {  	s8 =	simm.s32 $_scs_section_size  }
0x9e: {  	s9 =	simm.s32 $_size__tile_overlayer_lowered;
	s10 =	simm.s32 $_tile_overlayer_lowered  }
0x9f: {  	s22 =	simm.s32 $0x1BFF;
	s21 =	sshll.u32 s10, $0x1;
	s7 =	sadd.s32 s8, s19  }
0xa0: {  	s11 =	simm.s32 $0x0;
	s20 =	sshll.u32 s9, $0x1;
	s9 =	sadd.s32 s21, s7  }
0xa1: {  	[timem:s11], [sflag:s22] =	dma.local [hbm:s9], s20  }
0xa2: {  	_ =	swait.ge [sflag:s22], s20  }
0xa3: {  	s8 =	ssub.s32 $0x0, s20;
	[sflag:s22] =	ssyncset.done $0x0  }
0xa4: {  	[sflag:s22] =	ssyncadd.s32 s8;
	_ =	sdelay $0x1  }
0xa5: {  	s23 =	simm.s32 $0x1B8B  }
0xa6: {  	_ =	swait.ge [sflag:s23], $0x1  }
0xa7: {  	[sflag:s23] =	ssyncset.done $0x0  }
0xa8: {  	s25 =	simm.s32 $0x1B8E;
	s24 =	sld [smem:$0x3FFE];
	[sflag:s23] =	ssyncadd.s32 $0xFFFFFFFF  }
0xa9: {  	s26 =	simm.s32 $execute0_lowered;
	[smem:$0x3FD2] =	sst s25  }
0xaa: {  	s9 =	sshll.u32 s26, $0x1;
	_ =	strace $0x80000046;
	[dreg:$0x1] =	wrdreg $0xFFFFFFFF  }
0xab: {  	s28 =	simm.s32 $_size_execute0_lowered;
	s7 =	sadd.s32 s7, s9;
	[dreg:$0x0] =	wrdreg $0x0  }
0xac: {  	s9 =	sshll.u32 s28, $0x1;
	[dreg:$0x2] =	wrdreg s7  }
0xad: {  	[dreg:$0x3] =	wrdreg s9  }
0xae: {  	[dreg:$0x4] =	wrdreg $0xC0  }
0xaf: {  	_ =	task [dreg:s11], $0x5FFFF  }
0xb0: {  	[dreg:$0x1] =	wrdreg $0xFFFFFFFF  }
0xb1: {  	[dreg:$0x0] =	wrdreg $0x60  }
0xb2: {  	[dreg:$0x2] =	wrdreg s24  }
0xb3: {  	[dreg:$0x3] =	wrdreg s6  }
0xb4: {  	[dreg:$0x4] =	wrdreg s2  }
0xb5: {  	[dreg:$0x5] =	wrdreg s18  }
0xb6: {  	[dreg:$0x6] =	wrdreg s4  }
0xb7: {  	[dreg:$0x7] =	wrdreg s5  }
0xb8: {  	[dreg:$0x8] =	wrdreg $0x9  }
0xb9: {  	_ =	task.clear_ibuf [dreg:s11], $0x9FFFF;
	_ =	strace $0x90000046  }
0xba: {  	s29 =	simm.s32 $0x9;
	_ =	strace $0x80000048  }
0xbb: {  	_ =	swait.ge [sflag:s29], $0x1  }
0xbc: {  	[sflag:s29] =	ssyncadd.s32 $0xFFFFFFFF  }
0xbd: {  	_ =	strace $0x90000048  }
0xbe: {  	_ =	sfence  }
0xbf: {  	s30 =	sld [smem:$0x0];
	_ =	sdelay $0x2  }
0xc0: {  	s31 =	sshll.u32 s1, $0xD;
	s1 =	sshrl.u32 s1, $0x2  }
0xc1: {  	s3 =	sand.u32 $0x4000, s31;
	s1 =	sadd.s32 s1, s30  }
0xc2: {  	s0 =	sor.u32 s3, s0;
	s1 =	sshll.u32 s1, $0x11  }
0xc3: {  	s0 =	sor.u32 s1, s0  }
0xc4: {  	s0 =	sadd.s32 $0x8F2B, s0  }
0xc5: {  	[sflag:s0] =	ssyncadd.remote.s32 $0x1  }
0xc6: {  	_ =	sfence.sel $0xFFFF  }
0xc7: {  	[dreg:$0x0] =	wrdreg $0xFFFFFFFF;
	(pc) =	sbr.abs _section_cstart, $3  }
0xc8: {  	[dreg:$0x1] =	wrdreg $0xFFFFFFFF  }
0xc9: {  	_ =	task.clear_ibuf [dreg:s11], $0x2FFFF;
	_ =	strace $0x9FFFFFFF  }
0xca: {  	(tm) =	ssettm $0x7FFFFFFF  }
0xcb: {  	_ =	shalt  }
tec
execute0_lowered:
.L_overlay_start_1:
0x0: {  	(tag) =	ssettag $0x1  }
0x1: {  	s20 =	rddreg [dreg:$0x0]  }
0x2: {  	s0 =	rddreg [dreg:$0x1]  }
0x3: {  	s5 =	rddreg [dreg:$0x2]  }
0x4: {  	s7 =	rddreg [dreg:$0x3]  }
0x5: {  	s9 =	rddreg [dreg:$0x4]  }
0x6: {  	s11 =	rddreg [dreg:$0x5]  }
0x7: {  	s2 =	simm.s32 $0x0;
	s13 =	srdreg.scid;
	[dreg:$0x9] =	wrdreg s0  }
0x8: {  	s1 =	stileid.u32;
	[smem:$0x7FF] =	sst s2;
	s0 =	sand.u32 $0x1, s13  }
0x9: {  	s3 =	sadd.s32 $0x8C00, s20;
	s4 =	sshll.u32 s1, $0xA;
	s14 =	sadd.s32 $0x1F8C00, s20  }
0xa: {  	_ =	strace $0x80000047;
	s6 =	sshll.u32 s0, $0x9;
	[dreg:$0x7] =	wrdreg s3  }
0xb: {  	s15 =	sadd.s32 $0x2800, s20;
	[dreg:$0x8] =	wrdreg s14;
	s21 =	sor.u32 s6, s4  }
0xc: {  	s16 =	sadd.s32 $0x8800, s20;
	[dreg:$0xa] =	wrdreg s15;
	s12 =	sshrl.u32 s21, $0x3  }
0xd: {  	s19 =	sadd.s32 $0x8A00, s20;
	[dreg:$0xb] =	wrdreg s16;
	s17 =	sadd.s32 s12, s20  }
0xe: {  	[dreg:$0xc] =	wrdreg s19;
	s18 =	sadd.s32 $0x8000, s17  }
0xf: {  	s23 =	sadd.s32 $0x7800, s17;
	[dreg:$0xd] =	wrdreg s18  }
0x10: {  	[dreg:$0xe] =	wrdreg s23  }
0x11: {  	s3 =	simm.s32 $0x7;
	s22 =	rddreg [dreg:$0xd]  }
0x12: {  	[tilespmem:s2], [sflag:$0x7] =	stream.linear.gather [hbm4b:s22+s2], $0x200, $0x38;
	[tilespmem:$0xCC00] =	vst v63  }
0x13: {  	_ =	swait.ge [sflag:s3], $0x200  }
0x14: {  	[sflag:s3] =	ssyncset.done $0x0  }
0x15: {  	s4 =	simm.s32 $0x200;
	s24 =	rddreg [dreg:$0xe];
	[sflag:s3] =	ssyncadd.s32 $0xFFFFFE00  }
0x16: {  	[tilespmem:s4], [sflag:$0x7] =	stream.linear.gather [hbm4b:s24+s2], $0x200, $0x38;
	[tilespmem:$0xCC00] =	vst v63  }
0x17: {  	_ =	swait.ge [sflag:s3], $0x200  }
0x18: {  	s25 =	sadd.s32 s5, s12;
	[sflag:s3] =	ssyncset.done $0x0  }
0x19: {  	s26 =	simm.s32 $0x400;
	[dreg:$0xf] =	wrdreg s25;
	[sflag:s3] =	ssyncadd.s32 $0xFFFFFE00  }
0x1a: {  	[tilespmem:s26], [sflag:$0x7] =	stream.linear.gather [hbm4b:s25+s2], $0x200, $0x38;
	[tilespmem:$0xCC00] =	vst v63  }
0x1b: {  	_ =	swait.ge [sflag:s3], $0x200  }
0x1c: {  	[sflag:s3] =	ssyncset.done $0x0  }
0x1d: {  	s8 =	simm.s32 $0x600;
	s7 =	sadd.s32 s7, s12;
	[sflag:s3] =	ssyncadd.s32 $0xFFFFFE00  }
0x1e: {  	[tilespmem:s8], [sflag:$0x7] =	stream.linear.gather [hbm4b:s7+s2], $0x200, $0x38;
	[tilespmem:$0xCC00] =	vst v63  }
0x1f: {  	_ =	swait.ge [sflag:s3], $0x200  }
0x20: {  	[sflag:s3] =	ssyncset.done $0x0  }
0x21: {  	s10 =	simm.s32 $0x800;
	s9 =	sadd.s32 s9, s12;
	[sflag:s3] =	ssyncadd.s32 $0xFFFFFE00  }
0x22: {  	[tilespmem:s10], [sflag:$0x7] =	stream.linear.gather [hbm4b:s9+s2], $0x200, $0x38;
	[tilespmem:$0xCC00] =	vst v63  }
0x23: {  	_ =	swait.ge [sflag:s3], $0x200  }
0x24: {  	[sflag:s3] =	ssyncset.done $0x0  }
0x25: {  	s11 =	sadd.s32 s11, s12;
	s12 =	simm.s32 $0xA00;
	[sflag:s3] =	ssyncadd.s32 $0xFFFFFE00  }
0x26: {  	[tilespmem:s12], [sflag:$0x7] =	stream.linear.gather [hbm4b:s11+s2], $0x200, $0x38;
	[tilespmem:$0xCC00] =	vst v63  }
0x27: {  	_ =	swait.ge [sflag:s3], $0x200  }
0x28: {  	[sflag:s3] =	ssyncset.done $0x0  }
0x29: {  	s13 =	simm.s32 $0xC00;
	s14 =	rddreg [dreg:$0x7];
	[sflag:s3] =	ssyncadd.s32 $0xFFFFFE00  }
0x2a: {  	[tilespmem:s13], [sflag:$0x1] =	stream.indirect.gather [hbm4b:s14+s4], $0x10, s2, s4, $0xb8;
	[tilespmem:$0xCC00] =	vst v63  }
0x2b: {  	s15 =	rddreg [dreg:$0x8];
	s14 =	simm.s32 $0x2C00  }
0x2c: {  	[tilespmem:s14], [sflag:$0x2] =	stream.indirect.gather [hbm4b:s15+s4], $0x10, s4, s4, $0xb8;
	[tilespmem:$0xCC00] =	vst v63  }
0x2d: {  	s16 =	rddreg [dreg:$0x9];
	s15 =	simm.s32 $0x4C00  }
0x2e: {  	[tilespmem:s15], [sflag:$0x3] =	stream.indirect.gather [hbm4b:s16+s4], $0x10, s26, s4, $0xb8;
	[tilespmem:$0xCC00] =	vst v63  }
0x2f: {  	s17 =	rddreg [dreg:$0xa];
	s16 =	simm.s32 $0x6C00  }
0x30: {  	[tilespmem:s16], [sflag:$0x4] =	stream.indirect.gather [hbm4b:s17+s4], $0x10, s8, s4, $0xb8;
	[tilespmem:$0xCC00] =	vst v63  }
0x31: {  	s18 =	rddreg [dreg:$0xb];
	s17 =	simm.s32 $0x8C00  }
0x32: {  	[tilespmem:s17], [sflag:$0x5] =	stream.indirect.gather [hbm4b:s18+s4], $0x10, s10, s4, $0xb8;
	[tilespmem:$0xCC00] =	vst v63  }
0x33: {  	s19 =	simm.s32 $0x1;
	s22 =	rddreg [dreg:$0xc];
	s18 =	simm.s32 $0xAC00  }
0x34: {  	[tilespmem:s18], [sflag:$0x6] =	stream.indirect.gather [hbm4b:s22+s4], $0x10, s12, s4, $0xb8;
	[tilespmem:$0xCC00] =	vst v63  }
0x35: {  	s21 =	sshll.u32 s21, $0x1;
	_ =	swait.ge [sflag:s19], $0x2000  }
0x36: {  	s31 =	sadd.s32 s21, s20;
	[sflag:s19] =	ssyncset.done $0x0  }
0x37: {  	s20 =	sadd.s32 $0x3F8C00, s31;
	[sflag:s19] =	ssyncadd.s32 $0xFFFFE000  }
0x38: {  	[hbm4b:s20+s2] =	stream.linear.scatter [tilespmem:s13], [sflag:$0x7], $0x2000, $0x38;
	[tilespmem:$0xCC00] =	vst v63  }
0x39: {  	_ =	swait.ge [sflag:s3], $0x2000  }
0x3a: {  	[sflag:s3] =	ssyncset.done $0x0  }
0x3b: {  	s21 =	simm.s32 $0x2;
	[sflag:s3] =	ssyncadd.s32 $0xFFFFE000  }
0x3c: {  	_ =	swait.ge [sflag:s21], $0x2000  }
0x3d: {  	[sflag:s21] =	ssyncset.done $0x0  }
0x3e: {  	s22 =	sadd.s32 $0x410C00, s31;
	[sflag:s21] =	ssyncadd.s32 $0xFFFFE000  }
0x3f: {  	[hbm4b:s22+s2] =	stream.linear.scatter [tilespmem:s14], [sflag:$0x7], $0x2000, $0x38;
	[tilespmem:$0xCC00] =	vst v63  }
0x40: {  	_ =	swait.ge [sflag:s3], $0x2000  }
0x41: {  	[sflag:s3] =	ssyncset.done $0x0  }
0x42: {  	s23 =	simm.s32 $0x3;
	[sflag:s3] =	ssyncadd.s32 $0xFFFFE000  }
0x43: {  	_ =	swait.ge [sflag:s23], $0x2000  }
0x44: {  	[sflag:s23] =	ssyncset.done $0x0  }
0x45: {  	s24 =	sadd.s32 $0x408C00, s31;
	[sflag:s23] =	ssyncadd.s32 $0xFFFFE000  }
0x46: {  	[hbm4b:s24+s2] =	stream.linear.scatter [tilespmem:s15], [sflag:$0x7], $0x2000, $0x38;
	[tilespmem:$0xCC00] =	vst v63  }
0x47: {  	_ =	swait.ge [sflag:s3], $0x2000  }
0x48: {  	[sflag:s3] =	ssyncset.done $0x0  }
0x49: {  	s25 =	simm.s32 $0x4;
	[sflag:s3] =	ssyncadd.s32 $0xFFFFE000  }
0x4a: {  	_ =	swait.ge [sflag:s25], $0x2000  }
0x4b: {  	[sflag:s25] =	ssyncset.done $0x0  }
0x4c: {  	s26 =	sadd.s32 $0x400C00, s31;
	[sflag:s25] =	ssyncadd.s32 $0xFFFFE000  }
0x4d: {  	[hbm4b:s26+s2] =	stream.linear.scatter [tilespmem:s16], [sflag:$0x7], $0x2000, $0x38;
	[tilespmem:$0xCC00] =	vst v63  }
0x4e: {  	_ =	swait.ge [sflag:s3], $0x2000  }
0x4f: {  	[sflag:s3] =	ssyncset.done $0x0  }
0x50: {  	s28 =	simm.s32 $0x5;
	[sflag:s3] =	ssyncadd.s32 $0xFFFFE000  }
0x51: {  	_ =	swait.ge [sflag:s28], $0x2000  }
0x52: {  	s0 =	ssub.s32 $0x2, s0;
	[sflag:s28] =	ssyncset.done $0x0  }
0x53: {  	s6 =	sshrl.u32 s0, $0x1;
	s29 =	sadd.s32 $0x3F0C00, s31;
	[sflag:s28] =	ssyncadd.s32 $0xFFFFE000  }
0x54: {  	[hbm4b:s29+s2] =	stream.linear.scatter [tilespmem:s17], [sflag:$0x7], $0x2000, $0x38;
	[tilespmem:$0xCC00] =	vst v63  }
0x55: {  	s0 =	ssub.s32 s0, s6;
	_ =	swait.ge [sflag:s3], $0x2000  }
0x56: {  	s0 =	smax.u32 s0, $0x1;
	[sflag:s3] =	ssyncset.done $0x0  }
0x57: {  	s30 =	simm.s32 $0x6;
	p0 =	sne.s32 s0, $0x1;
	[sflag:s3] =	ssyncadd.s32 $0xFFFFE000  }
.Ltmp0:
0x58: {  	_ =	swait.ge [sflag:s30], $0x2000;
	(pc) =	sbr.rel @!p0 .LBB2_3-.Ltmp0, $4  }
0x59: {  	[sflag:s30] =	ssyncset.done $0x0  }
0x5a: {  	s31 =	sadd.s32 $0x3E8C00, s31;
	[sflag:s30] =	ssyncadd.s32 $0xFFFFE000  }
0x5b: {  	[hbm4b:s31+s2] =	stream.linear.scatter [tilespmem:s18], [sflag:$0x7], $0x2000, $0x38;
	[tilespmem:$0xCC00] =	vst v63  }
0x5c: {  	s0 =	sadd.s32 $0xFFFFFFFF, s0;
	_ =	swait.ge [sflag:s3], $0x2000  }
0x5d: {  	s6 =	simm.s32 $0x400  }
.LBB2_2:
0x5e: {  	[sflag:s3] =	ssyncset.done $0x0  }
0x5f: {  	s1 =	rddreg [dreg:$0xd];
	[sflag:s3] =	ssyncadd.s32 $0xFFFFE000  }
0x60: {  	[tilespmem:s2], [sflag:$0x7] =	stream.linear.gather [hbm4b:s1+s2], $0x200, $0x38;
	[tilespmem:$0xCC00] =	vst v63  }
0x61: {  	_ =	swait.ge [sflag:s3], $0x200  }
0x62: {  	[sflag:s3] =	ssyncset.done $0x0  }
0x63: {  	s5 =	rddreg [dreg:$0xe];
	[sflag:s3] =	ssyncadd.s32 $0xFFFFFE00  }
0x64: {  	[tilespmem:s4], [sflag:$0x7] =	stream.linear.gather [hbm4b:s5+s2], $0x200, $0x38;
	[tilespmem:$0xCC00] =	vst v63  }
0x65: {  	_ =	swait.ge [sflag:s3], $0x200  }
0x66: {  	[sflag:s3] =	ssyncset.done $0x0  }
0x67: {  	s5 =	rddreg [dreg:$0xf];
	[sflag:s3] =	ssyncadd.s32 $0xFFFFFE00  }
0x68: {  	[tilespmem:s6], [sflag:$0x7] =	stream.linear.gather [hbm4b:s5+s2], $0x200, $0x38;
	[tilespmem:$0xCC00] =	vst v63  }
0x69: {  	_ =	swait.ge [sflag:s3], $0x200  }
0x6a: {  	[sflag:s3] =	ssyncset.done $0x0  }
0x6b: {  	[sflag:s3] =	ssyncadd.s32 $0xFFFFFE00  }
0x6c: {  	[tilespmem:s8], [sflag:$0x7] =	stream.linear.gather [hbm4b:s7+s2], $0x200, $0x38;
	[tilespmem:$0xCC00] =	vst v63  }
0x6d: {  	_ =	swait.ge [sflag:s3], $0x200  }
0x6e: {  	[sflag:s3] =	ssyncset.done $0x0  }
0x6f: {  	[sflag:s3] =	ssyncadd.s32 $0xFFFFFE00  }
0x70: {  	[tilespmem:s10], [sflag:$0x7] =	stream.linear.gather [hbm4b:s9+s2], $0x200, $0x38;
	[tilespmem:$0xCC00] =	vst v63  }
0x71: {  	_ =	swait.ge [sflag:s3], $0x200  }
0x72: {  	[sflag:s3] =	ssyncset.done $0x0  }
0x73: {  	[sflag:s3] =	ssyncadd.s32 $0xFFFFFE00  }
0x74: {  	[tilespmem:s12], [sflag:$0x7] =	stream.linear.gather [hbm4b:s11+s2], $0x200, $0x38;
	[tilespmem:$0xCC00] =	vst v63  }
0x75: {  	_ =	swait.ge [sflag:s3], $0x200  }
0x76: {  	[sflag:s3] =	ssyncset.done $0x0  }
0x77: {  	s1 =	rddreg [dreg:$0x7];
	[sflag:s3] =	ssyncadd.s32 $0xFFFFFE00  }
0x78: {  	[tilespmem:s13], [sflag:$0x1] =	stream.indirect.gather [hbm4b:s1+s4], $0x10, s2, s4, $0xb8;
	[tilespmem:$0xCC00] =	vst v63  }
0x79: {  	s5 =	rddreg [dreg:$0x8]  }
0x7a: {  	[tilespmem:s14], [sflag:$0x2] =	stream.indirect.gather [hbm4b:s5+s4], $0x10, s4, s4, $0xb8;
	[tilespmem:$0xCC00] =	vst v63  }
0x7b: {  	s1 =	rddreg [dreg:$0x9]  }
0x7c: {  	[tilespmem:s15], [sflag:$0x3] =	stream.indirect.gather [hbm4b:s1+s4], $0x10, s6, s4, $0xb8;
	[tilespmem:$0xCC00] =	vst v63  }
0x7d: {  	s5 =	rddreg [dreg:$0xa]  }
0x7e: {  	[tilespmem:s16], [sflag:$0x4] =	stream.indirect.gather [hbm4b:s5+s4], $0x10, s8, s4, $0xb8;
	[tilespmem:$0xCC00] =	vst v63  }
0x7f: {  	s1 =	rddreg [dreg:$0xb]  }
0x80: {  	[tilespmem:s17], [sflag:$0x5] =	stream.indirect.gather [hbm4b:s1+s4], $0x10, s10, s4, $0xb8;
	[tilespmem:$0xCC00] =	vst v63  }
0x81: {  	s5 =	rddreg [dreg:$0xc]  }
0x82: {  	[tilespmem:s18], [sflag:$0x6] =	stream.indirect.gather [hbm4b:s5+s4], $0x10, s12, s4, $0xb8;
	[tilespmem:$0xCC00] =	vst v63  }
0x83: {  	_ =	swait.ge [sflag:s19], $0x2000  }
0x84: {  	[sflag:s19] =	ssyncset.done $0x0  }
0x85: {  	[sflag:s19] =	ssyncadd.s32 $0xFFFFE000  }
0x86: {  	[hbm4b:s20+s2] =	stream.linear.scatter [tilespmem:s13], [sflag:$0x7], $0x2000, $0x38;
	[tilespmem:$0xCC00] =	vst v63  }
0x87: {  	_ =	swait.ge [sflag:s3], $0x2000  }
0x88: {  	[sflag:s3] =	ssyncset.done $0x0  }
0x89: {  	[sflag:s3] =	ssyncadd.s32 $0xFFFFE000  }
0x8a: {  	_ =	swait.ge [sflag:s21], $0x2000  }
0x8b: {  	[sflag:s21] =	ssyncset.done $0x0  }
0x8c: {  	[sflag:s21] =	ssyncadd.s32 $0xFFFFE000  }
0x8d: {  	[hbm4b:s22+s2] =	stream.linear.scatter [tilespmem:s14], [sflag:$0x7], $0x2000, $0x38;
	[tilespmem:$0xCC00] =	vst v63  }
0x8e: {  	_ =	swait.ge [sflag:s3], $0x2000  }
0x8f: {  	[sflag:s3] =	ssyncset.done $0x0  }
0x90: {  	[sflag:s3] =	ssyncadd.s32 $0xFFFFE000  }
0x91: {  	_ =	swait.ge [sflag:s23], $0x2000  }
0x92: {  	[sflag:s23] =	ssyncset.done $0x0  }
0x93: {  	[sflag:s23] =	ssyncadd.s32 $0xFFFFE000  }
0x94: {  	[hbm4b:s24+s2] =	stream.linear.scatter [tilespmem:s15], [sflag:$0x7], $0x2000, $0x38;
	[tilespmem:$0xCC00] =	vst v63  }
0x95: {  	_ =	swait.ge [sflag:s3], $0x2000  }
0x96: {  	[sflag:s3] =	ssyncset.done $0x0  }
0x97: {  	[sflag:s3] =	ssyncadd.s32 $0xFFFFE000  }
0x98: {  	_ =	swait.ge [sflag:s25], $0x2000  }
0x99: {  	[sflag:s25] =	ssyncset.done $0x0  }
0x9a: {  	[sflag:s25] =	ssyncadd.s32 $0xFFFFE000  }
0x9b: {  	[hbm4b:s26+s2] =	stream.linear.scatter [tilespmem:s16], [sflag:$0x7], $0x2000, $0x38;
	[tilespmem:$0xCC00] =	vst v63  }
0x9c: {  	_ =	swait.ge [sflag:s3], $0x2000  }
0x9d: {  	[sflag:s3] =	ssyncset.done $0x0  }
0x9e: {  	[sflag:s3] =	ssyncadd.s32 $0xFFFFE000  }
0x9f: {  	_ =	swait.ge [sflag:s28], $0x2000  }
0xa0: {  	[sflag:s28] =	ssyncset.done $0x0  }
0xa1: {  	[sflag:s28] =	ssyncadd.s32 $0xFFFFE000  }
0xa2: {  	[hbm4b:s29+s2] =	stream.linear.scatter [tilespmem:s17], [sflag:$0x7], $0x2000, $0x38;
	[tilespmem:$0xCC00] =	vst v63  }
0xa3: {  	_ =	swait.ge [sflag:s3], $0x2000  }
0xa4: {  	[sflag:s3] =	ssyncset.done $0x0  }
0xa5: {  	p0 =	sne.s32 s0, $0x1;
	[sflag:s3] =	ssyncadd.s32 $0xFFFFE000  }
.Ltmp1:
0xa6: {  	_ =	swait.ge [sflag:s30], $0x2000;
	(pc) =	sbr.rel @p0 .LBB2_2-.Ltmp1, $4  }
0xa7: {  	[sflag:s30] =	ssyncset.done $0x0  }
0xa8: {  	[sflag:s30] =	ssyncadd.s32 $0xFFFFE000  }
0xa9: {  	[hbm4b:s31+s2] =	stream.linear.scatter [tilespmem:s18], [sflag:$0x7], $0x2000, $0x38;
	[tilespmem:$0xCC00] =	vst v63  }
0xaa: {  	s0 =	sadd.s32 $0xFFFFFFFF, s0;
	_ =	swait.ge [sflag:s3], $0x2000  }
.LBB2_3:
0xab: {  	[sflag:s3] =	ssyncset.done $0x0  }
0xac: {  	[sflag:s3] =	ssyncadd.s32 $0xFFFFE000  }
0xad: {  	_ =	sfence.sel $0x180000  }
0xae: {  	[bflag:$0x0] =	sbarrier.arrive $0xFFFF  }
0xaf: {  	_ =	strace $0x90000047  }
0xb0: {  	s0 =	stileid.u32;
	[bflag:$0x2] =	sbarrier.arrive $0xFFFF  }
0xb1: {  	p0 =	sne.s32 s0, $0x0;
	s0 =	rddreg [dreg:$0x6]  }
0xb2: {  	s0 =	sadd.s32 @!p0 $0x100000, s0  }
0xb3: {  	[sflag:s0] =	ssyncadd.tile.s32 @!p0 $0x1;
	_ =	shalt  }
.Lfunc_end2:
_tile_overlayer_lowered:
.L_overlay_start_2:
0xb4: {  	(tag) =	ssettag $0x2  }
0xb5: {  	s0 =	rddreg [dreg:$0x0];
	s2 =	stileid.u32  }
0xb6: {  	s1 =	rddreg [dreg:$0x1];
	p0 =	sne.s32 s2, $0x0  }
0xb7: {  	s3 =	rddreg [dreg:$0x2];
	[bflag:$0x3] =	sbarrier.arrive $0xFFFF;
	s2 =	simm.s32 @!p0 $0x1C07  }
0xb8: {  	[timem:s3], [sflag:s2] =	dma.local @!p0 [hbm:s0], s1  }
0xb9: {  	s0 =	simm.s32 @!p0 $0x7  }
0xba: {  	_ =	swait.ge @!p0 [sflag:s0], s1  }
0xbb: {  	s1 =	ssub.s32 @!p0 $0x0, s1;
	[sflag:s0] =	ssyncset.done @!p0 $0x0  }
0xbc: {  	[sflag:s0] =	ssyncadd.s32 @!p0 s1  }
0xbd: {  	[bflag:$0x3] =	sbarrier.arrive $0xFFFF  }
0xbe: {  	_ =	shalt  }

</sc_bundles>
